<compile_context>
chip_gen: v7x
topology: tpu7x:2x2x1
jax: 0.10.2.dev20260603
libtpu: 0.0.44.dev20260713+nightly
codegen_flags: <defaults>
</compile_context>

<pallas_src>
import functools

import jax
import jax.numpy as jnp
from jax import lax
from jax.experimental import pallas as pl
from jax.experimental.pallas import tpu as pltpu
from jax.experimental.pallas import tpu_sc as plsc

N = 10000
E = 320000
CIN = 128
COUT = 256
CH = COUT // 2

NC = 2
NS = 16
NW = NC * NS
K = 128
CH0 = 120
CH1 = 40
TOT_CHUNKS = NS * (CH0 + CH1)
C0TOT = NS * CH0
E_PAD = TOT_CHUNKS * K
DCH = TOT_CHUNKS // NW
N_PAD = ((N + 1 + 127) // 128) * 128
ROWS_PT = N_PAD // NS

_sc_mesh = plsc.VectorSubcoreMesh(core_axis_name="c", subcore_axis_name="s")


@functools.partial(
    pl.kernel,
    out_type=jax.ShapeDtypeStruct((NW, N_PAD), jnp.float32),
    mesh=_sc_mesh,
    scratch_types=[
        pltpu.VMEM((DCH, K), jnp.int32),
        pltpu.VMEM((N_PAD,), jnp.float32),
    ],
    compiler_params=pltpu.CompilerParams(needs_layout_passes=False),
)
def _deg_kernel(dst_hbm, zeros_hbm, out_hbm, dst_v, deg_v):
    c = lax.axis_index("c")
    s = lax.axis_index("s")
    wid = s * NC + c
    pltpu.sync_copy(zeros_hbm, deg_v)
    pltpu.sync_copy(dst_hbm.at[pl.ds(wid * DCH, DCH)], dst_v)
    ones = jnp.ones((16,), jnp.float32)

    def body(j, carry):
        for g in range(K // 16):
            plsc.addupdate_scatter(deg_v, [dst_v[j, pl.ds(g * 16, 16)]], ones)
        return carry

    lax.fori_loop(0, DCH, body, 0)
    pltpu.sync_copy(deg_v, out_hbm.at[wid])


@functools.partial(
    pl.kernel,
    out_type=jax.ShapeDtypeStruct((NC, N_PAD, CIN), jnp.float32),
    mesh=_sc_mesh,
    scratch_types=[
        pltpu.VMEM((CH1, K), jnp.int32),
        pltpu.VMEM((CH1, K), jnp.int32),
        pltpu.VMEM((K, CIN), jnp.float32),
        pltpu.VMEM((K, CIN), jnp.float32),
        pltpu.VMEM_SHARED((N_PAD, CIN), jnp.float32),
        pltpu.SemaphoreType.DMA,
        pltpu.SemaphoreType.DMA,
        pltpu.SemaphoreType.DMA,
        pltpu.SemaphoreType.DMA,
    ],
)
def _agg_kernel(y_hbm, src_hbm, dst_hbm, zeros_hbm, out_hbm,
                src_v, dst_v, buf0, buf1, agg_sh, gs0, gs1, ss0, ss1):
    c = lax.axis_index("c")
    s = lax.axis_index("s")
    pltpu.sync_copy(zeros_hbm, agg_sh.at[pl.ds(s * ROWS_PT, ROWS_PT)])
    plsc.subcore_barrier()

    def run_stages(base, stage, nstages):
        nb2 = stage // 2
        for h in range(nstages):
            start = base + h * stage
            pltpu.sync_copy(src_hbm.at[pl.ds(start, stage)],
                            src_v.at[pl.ds(0, stage)])
            pltpu.sync_copy(dst_hbm.at[pl.ds(start, stage)],
                            dst_v.at[pl.ds(0, stage)])
            pltpu.async_copy(y_hbm.at[src_v.at[0]], buf0, gs0)

            def body(jj, carry):
                j0 = jj * 2
                pltpu.make_async_copy(y_hbm.at[src_v.at[j0]], buf0, gs0).wait()
                pltpu.async_copy(buf0, agg_sh.at[dst_v.at[j0]], ss0, add=True)

                @pl.when(jj > 0)
                def _():
                    pltpu.make_async_copy(
                        buf1, agg_sh.at[dst_v.at[j0 - 1]], ss1).wait()

                pltpu.async_copy(y_hbm.at[src_v.at[j0 + 1]], buf1, gs1)
                pltpu.make_async_copy(buf0, agg_sh.at[dst_v.at[j0]], ss0).wait()

                @pl.when(jj < nb2 - 1)
                def _():
                    pltpu.async_copy(y_hbm.at[src_v.at[j0 + 2]], buf0, gs0)

                pltpu.make_async_copy(y_hbm.at[src_v.at[j0 + 1]], buf1, gs1).wait()
                pltpu.async_copy(buf1, agg_sh.at[dst_v.at[j0 + 1]], ss1, add=True)
                return carry

            lax.fori_loop(0, nb2, body, 0)
            pltpu.make_async_copy(
                buf1, agg_sh.at[dst_v.at[stage - 1]], ss1).wait()

    @pl.when(c == 0)
    def _():
        run_stages(s * CH0, CH1, CH0 // CH1)

    @pl.when(c == 1)
    def _():
        run_stages(C0TOT + s * CH1, CH1, 1)

    plsc.subcore_barrier()
    pltpu.sync_copy(
        agg_sh.at[pl.ds(s * ROWS_PT, ROWS_PT)],
        out_hbm.at[c, pl.ds(s * ROWS_PT, ROWS_PT)],
    )


def _prep_body(parts_ref, x_ref, y_ref, dinv_ref):
    deg = jnp.sum(parts_ref[...], axis=0) + 1.0
    dinv = lax.rsqrt(jnp.maximum(deg, 1e-12))
    y_ref[...] = x_ref[...] * dinv[:, None]
    dinv_ref[...] = dinv


_prep_call = pl.pallas_call(
    _prep_body,
    out_shape=(
        jax.ShapeDtypeStruct((N_PAD, CIN), jnp.float32),
        jax.ShapeDtypeStruct((N_PAD,), jnp.float32),
    ),
)


def _dense_body(a_ref, y_ref, dinv_ref, we_ref, wo_ref, be_ref, bo_ref,
                he_ref, ho_ref, st_ref):
    dinv = dinv_ref[...]
    agg = (a_ref[0] + a_ref[1] + y_ref[...]) * dinv[:, None]
    mask = lax.broadcasted_iota(jnp.int32, (N_PAD, 1), 0) < N
    he = jnp.dot(agg, we_ref[...], preferred_element_type=jnp.float32)
    he = jnp.where(mask, jnp.maximum(he + be_ref[...][None, :], 0.0), 0.0)
    ho = jnp.dot(agg, wo_ref[...], preferred_element_type=jnp.float32)
    ho = jnp.where(mask, jnp.maximum(ho + bo_ref[...][None, :], 0.0), 0.0)
    he_ref[...] = he
    ho_ref[...] = ho
    st_ref[...] = jnp.concatenate(
        [
            jnp.sum(he, axis=0)[None],
            jnp.sum(he * he, axis=0)[None],
            jnp.sum(ho, axis=0)[None],
            jnp.sum(ho * ho, axis=0)[None],
        ],
        axis=0,
    )


_dense_call = pl.pallas_call(
    _dense_body,
    out_shape=(
        jax.ShapeDtypeStruct((N_PAD, CH), jnp.float32),
        jax.ShapeDtypeStruct((N_PAD, CH), jnp.float32),
        jax.ShapeDtypeStruct((4, CH), jnp.float32),
    ),
)

_BR = 400


def _final_body(he_ref, ho_ref, st_ref, ge_ref, go_ref, te_ref, to_ref, out_ref):
    invn = 1.0 / N
    me = st_ref[0] * invn
    ve = st_ref[1] * invn - me * me
    mo = st_ref[2] * invn
    vo = st_ref[3] * invn - mo * mo
    se = lax.rsqrt(ve + 1e-5) * ge_ref[...]
    so = lax.rsqrt(vo + 1e-5) * go_ref[...]
    a = (he_ref[...] - me[None, :]) * se[None, :] + te_ref[...][None, :]
    b = (ho_ref[...] - mo[None, :]) * so[None, :] + to_ref[...][None, :]
    out_ref[...] = jnp.maximum(a, b)


_final_call = pl.pallas_call(
    _final_body,
    grid=(N // _BR,),
    in_specs=[
        pl.BlockSpec((_BR, CH), lambda i: (i, 0)),
        pl.BlockSpec((_BR, CH), lambda i: (i, 0)),
        pl.BlockSpec((4, CH), lambda i: (0, 0)),
        pl.BlockSpec((CH,), lambda i: (0,)),
        pl.BlockSpec((CH,), lambda i: (0,)),
        pl.BlockSpec((CH,), lambda i: (0,)),
        pl.BlockSpec((CH,), lambda i: (0,)),
    ],
    out_specs=pl.BlockSpec((_BR, CH), lambda i: (i, 0)),
    out_shape=jax.ShapeDtypeStruct((N, CH), jnp.float32),
)


def kernel(x, edge_index, W, b, gamma, beta):
    src = edge_index[0]
    dst = edge_index[1]
    pad = E_PAD - E
    src_r = jnp.pad(src, (0, pad), constant_values=N).reshape(TOT_CHUNKS, K)
    dst_r = jnp.pad(dst, (0, pad), constant_values=N).reshape(TOT_CHUNKS, K)
    x_pad = jnp.pad(x, ((0, N_PAD - N), (0, 0)))

    zeros_n = jnp.zeros((N_PAD,), jnp.float32)
    zeros_agg = jnp.zeros((ROWS_PT, CIN), jnp.float32)

    deg_parts = _deg_kernel(dst_r, zeros_n)
    y, dinv = _prep_call(deg_parts, x_pad)
    agg_parts = _agg_kernel(y, src_r, dst_r, zeros_agg)

    We, Wo = W[:, 0::2], W[:, 1::2]
    be, bo = b[0::2], b[1::2]
    he, ho, st = _dense_call(agg_parts, y, dinv, We, Wo, be, bo)

    ge, go = gamma[0::2], gamma[1::2]
    te, to = beta[0::2], beta[1::2]
    return _final_call(he, ho, st, ge, go, te, to)

# --- scband reference (transcript-rebuilt; emitter-appended) ---
"""Pipeline reference for scband-gcnblock-asr-79396765434242 (READ-ONLY COPY).

The authoritative reference and input builder live on the scoring server;
editing this copy changes nothing except your own understanding.
"""

import jax, jax.numpy as jnp
import numpy as np

N = 10000
E = 320000
IN_CH = 128
OUT_CH = 256


def setup_inputs(seed: int = 0) -> dict:
    key = jax.random.key(seed)
    k1, k2, k3 = jax.random.split(key, 3)
    x = jax.random.normal(k1, (N, IN_CH), dtype=jnp.float32)
    edge_index = jax.random.randint(k2, (2, E), 0, N, dtype=jnp.int32)
    W = jax.random.normal(k3, (IN_CH, OUT_CH), dtype=jnp.float32) * 0.05
    b = jnp.zeros((OUT_CH,), dtype=jnp.float32)
    gamma = jnp.ones((OUT_CH,), dtype=jnp.float32)
    beta = jnp.zeros((OUT_CH,), dtype=jnp.float32)
    return {"x": x, "edge_index": edge_index, "W": W, "b": b, "gamma": gamma, "beta": beta}


def reference(x, edge_index, W, b, gamma, beta):
    n = x.shape[0]
    src = edge_index[0]
    dst = edge_index[1]
    # GCNConv: add self-loops, symmetric normalization D^-1/2 (A+I) D^-1/2 X W + b
    loop = jnp.arange(n, dtype=src.dtype)
    src = jnp.concatenate([src, loop])
    dst = jnp.concatenate([dst, loop])
    deg = jnp.zeros((n,), dtype=x.dtype).at[dst].add(1.0)
    dinv = jax.lax.rsqrt(jnp.maximum(deg, 1e-12))
    norm = dinv[src] * dinv[dst]
    h = x @ W
    msg = h[src] * norm[:, None]
    out = jnp.zeros((n, h.shape[1]), dtype=x.dtype).at[dst].add(msg) + b
    # ReLU
    out = jax.nn.relu(out)
    # BatchNorm1d (training mode: batch statistics, biased variance, eps=1e-5)
    mean = out.mean(axis=0)
    var = out.var(axis=0)
    out = (out - mean) * jax.lax.rsqrt(var + 1e-5) * gamma + beta
    # MaxPool1d(kernel_size=2) over the channel (last) dimension
    out = out.reshape(n, out.shape[1] // 2, 2).max(axis=-1)
    return out

if __name__ == "__main__":
    import jax
    _d = setup_inputs()
    print(jax.jit(kernel)(*tuple(_d.values())))

</pallas_src>

<mosaic_0001>
#map = affine_map<(d0, d1) -> (0, 0)>
#map1 = affine_map<(d0, d1) -> (0)>
module attributes {stable_mosaic.version = 14 : i64} {
  func.func @_deg_kernel(%arg0: i32, %arg1: i32, %arg2: memref<2560x128xi32, #tpu.memory_space<hbm>>, %arg3: memref<10112xf32, #tpu.memory_space<hbm>>, %arg4: memref<32x10112xf32, #tpu.memory_space<hbm>>, %arg5: memref<80x128xi32, #tpu.memory_space<vmem>>, %arg6: memref<10112xf32, #tpu.memory_space<vmem>>) attributes {dimension_semantics = [#tpu.dimension_semantics<core_parallel>, #tpu.dimension_semantics<subcore_parallel>], iteration_bounds = array<i64: 2, 16>, scalar_prefetch = 0 : i64, scratch_operands = 2 : i64, tpu.core_type = #tpu.core_type<sc_vector_subcore>, window_params = [{transform_indices = #map}, {transform_indices = #map1}, {transform_indices = #map}]} {
    %mul3A = arith.constant 2 : i32
    %mul3A_0 = arith.muli %arg1, %mul3A : i32
    %add3A = arith.addi %mul3A_0, %arg0 : i32
    "tpu.region"() ({
      %run_scoped3A = tpu.sem_alloc : memref<!tpu.dma_semaphore, #tpu.memory_space<semaphore_mem>>
      tpu.enqueue_dma source(%arg3 : memref<10112xf32, #tpu.memory_space<hbm>>) target(%arg6 : memref<10112xf32, #tpu.memory_space<vmem>>) target_semaphore(%run_scoped3A : memref<!tpu.dma_semaphore, #tpu.memory_space<semaphore_mem>>)
      tpu.wait_dma2 semaphore(%run_scoped3A : memref<!tpu.dma_semaphore, #tpu.memory_space<semaphore_mem>>) src(%arg3 : memref<10112xf32, #tpu.memory_space<hbm>>) dst(%arg6 : memref<10112xf32, #tpu.memory_space<vmem>>)
      tpu.yield
    }) : () -> ()
    %mul3A_1 = arith.constant 80 : i32
    %mul3A_2 = arith.muli %add3A, %mul3A_1 : i32
    "tpu.region"() ({
      %run_scoped3A = tpu.sem_alloc : memref<!tpu.dma_semaphore, #tpu.memory_space<semaphore_mem>>
      %dma_start3A = arith.constant 0 : i32
      %dma_start3A_9 = tpu.memref_slice %arg2[%mul3A_2, %dma_start3A] : memref<2560x128xi32, #tpu.memory_space<hbm>> -> memref<80x128xi32, #tpu.memory_space<hbm>>
      %dma_start3A_10 = arith.constant 0 : i32
      %dma_start3A_11 = tpu.memref_slice %arg2[%mul3A_2, %dma_start3A_10] : memref<2560x128xi32, #tpu.memory_space<hbm>> -> memref<80x128xi32, #tpu.memory_space<hbm>>
      tpu.enqueue_dma source(%dma_start3A_11 : memref<80x128xi32, #tpu.memory_space<hbm>>) target(%arg5 : memref<80x128xi32, #tpu.memory_space<vmem>>) target_semaphore(%run_scoped3A : memref<!tpu.dma_semaphore, #tpu.memory_space<semaphore_mem>>)
      %dma_wait3A = arith.constant 0 : i32
      %dma_wait3A_12 = tpu.memref_slice %arg2[%mul3A_2, %dma_wait3A] : memref<2560x128xi32, #tpu.memory_space<hbm>> -> memref<80x128xi32, #tpu.memory_space<hbm>>
      %dma_wait3A_13 = arith.constant 0 : i32
      %dma_wait3A_14 = tpu.memref_slice %arg2[%mul3A_2, %dma_wait3A_13] : memref<2560x128xi32, #tpu.memory_space<hbm>> -> memref<80x128xi32, #tpu.memory_space<hbm>>
      tpu.wait_dma2 semaphore(%run_scoped3A : memref<!tpu.dma_semaphore, #tpu.memory_space<semaphore_mem>>) src(%dma_wait3A_14 : memref<80x128xi32, #tpu.memory_space<hbm>>) dst(%arg5 : memref<80x128xi32, #tpu.memory_space<vmem>>)
      tpu.yield
    }) : () -> ()
    %broadcast_in_dim3A = arith.constant 1.000000e+00 : f32
    %broadcast_in_dim3A_3 = vector.broadcast %broadcast_in_dim3A : f32 to vector<16xf32>
    %scan3A = arith.constant 0 : i32
    %scan3A_4 = arith.constant 0 : i32
    %scan3A_5 = arith.constant 80 : i32
    %scan3A_6 = arith.addi %scan3A_4, %scan3A_5 : i32
    %scan3A_7 = arith.constant 1 : i32
    scf.for %scan3A_9 = %scan3A_4 to %scan3A_6 step %scan3A_7  : i32 {
      %get3A = arith.index_cast %scan3A_9 : i32 to index
      %get3A_10 = arith.constant 0 : index
      %get3A_11 = tpu.vector_load %arg5[%get3A, %get3A_10] {strides = array<i32>} : memref<80x128xi32, #tpu.memory_space<vmem>>, vector<16xi32>,
      tpu.vector_store_idx %arg6[%get3A_11], %broadcast_in_dim3A_3 {add = true} : memref<10112xf32, #tpu.memory_space<vmem>>[vector<16xi32>], vector<16xf32>,
      %get3A_12 = arith.index_cast %scan3A_9 : i32 to index
      %get3A_13 = arith.constant 16 : index
      %get3A_14 = tpu.vector_load %arg5[%get3A_12, %get3A_13] {strides = array<i32>} : memref<80x128xi32, #tpu.memory_space<vmem>>, vector<16xi32>,
      tpu.vector_store_idx %arg6[%get3A_14], %broadcast_in_dim3A_3 {add = true} : memref<10112xf32, #tpu.memory_space<vmem>>[vector<16xi32>], vector<16xf32>,
      %get3A_15 = arith.index_cast %scan3A_9 : i32 to index
      %get3A_16 = arith.constant 32 : index
      %get3A_17 = tpu.vector_load %arg5[%get3A_15, %get3A_16] {strides = array<i32>} : memref<80x128xi32, #tpu.memory_space<vmem>>, vector<16xi32>,
      tpu.vector_store_idx %arg6[%get3A_17], %broadcast_in_dim3A_3 {add = true} : memref<10112xf32, #tpu.memory_space<vmem>>[vector<16xi32>], vector<16xf32>,
      %get3A_18 = arith.index_cast %scan3A_9 : i32 to index
      %get3A_19 = arith.constant 48 : index
      %get3A_20 = tpu.vector_load %arg5[%get3A_18, %get3A_19] {strides = array<i32>} : memref<80x128xi32, #tpu.memory_space<vmem>>, vector<16xi32>,
      tpu.vector_store_idx %arg6[%get3A_20], %broadcast_in_dim3A_3 {add = true} : memref<10112xf32, #tpu.memory_space<vmem>>[vector<16xi32>], vector<16xf32>,
      %get3A_21 = arith.index_cast %scan3A_9 : i32 to index
      %get3A_22 = arith.constant 64 : index
      %get3A_23 = tpu.vector_load %arg5[%get3A_21, %get3A_22] {strides = array<i32>} : memref<80x128xi32, #tpu.memory_space<vmem>>, vector<16xi32>,
      tpu.vector_store_idx %arg6[%get3A_23], %broadcast_in_dim3A_3 {add = true} : memref<10112xf32, #tpu.memory_space<vmem>>[vector<16xi32>], vector<16xf32>,
      %get3A_24 = arith.index_cast %scan3A_9 : i32 to index
      %get3A_25 = arith.constant 80 : index
      %get3A_26 = tpu.vector_load %arg5[%get3A_24, %get3A_25] {strides = array<i32>} : memref<80x128xi32, #tpu.memory_space<vmem>>, vector<16xi32>,
      tpu.vector_store_idx %arg6[%get3A_26], %broadcast_in_dim3A_3 {add = true} : memref<10112xf32, #tpu.memory_space<vmem>>[vector<16xi32>], vector<16xf32>,
      %get3A_27 = arith.index_cast %scan3A_9 : i32 to index
      %get3A_28 = arith.constant 96 : index
      %get3A_29 = tpu.vector_load %arg5[%get3A_27, %get3A_28] {strides = array<i32>} : memref<80x128xi32, #tpu.memory_space<vmem>>, vector<16xi32>,
      tpu.vector_store_idx %arg6[%get3A_29], %broadcast_in_dim3A_3 {add = true} : memref<10112xf32, #tpu.memory_space<vmem>>[vector<16xi32>], vector<16xf32>,
      %get3A_30 = arith.index_cast %scan3A_9 : i32 to index
      %get3A_31 = arith.constant 112 : index
      %get3A_32 = tpu.vector_load %arg5[%get3A_30, %get3A_31] {strides = array<i32>} : memref<80x128xi32, #tpu.memory_space<vmem>>, vector<16xi32>,
      tpu.vector_store_idx %arg6[%get3A_32], %broadcast_in_dim3A_3 {add = true} : memref<10112xf32, #tpu.memory_space<vmem>>[vector<16xi32>], vector<16xf32>,
    }
    %scan3A_8 = arith.constant 80 : i32
    "tpu.region"() ({
      %run_scoped3A = tpu.sem_alloc : memref<!tpu.dma_semaphore, #tpu.memory_space<semaphore_mem>>
      %dma_start3A = arith.constant 0 : i32
      %dma_start3A_9 = tpu.memref_slice %arg4[%add3A, %dma_start3A] : memref<32x10112xf32, #tpu.memory_space<hbm>> -> memref<1x10112xf32, #tpu.memory_space<hbm>>
      %dma_start3A_10 = tpu.memref_squeeze %dma_start3A_9 : memref<1x10112xf32, #tpu.memory_space<hbm>> -> memref<10112xf32, #tpu.memory_space<hbm>>
      %dma_start3A_11 = arith.constant 0 : i32
      %dma_start3A_12 = tpu.memref_slice %arg4[%add3A, %dma_start3A_11] : memref<32x10112xf32, #tpu.memory_space<hbm>> -> memref<1x10112xf32, #tpu.memory_space<hbm>>
      %dma_start3A_13 = tpu.memref_squeeze %dma_start3A_12 : memref<1x10112xf32, #tpu.memory_space<hbm>> -> memref<10112xf32, #tpu.memory_space<hbm>>
      tpu.enqueue_dma source(%arg6 : memref<10112xf32, #tpu.memory_space<vmem>>) target(%dma_start3A_13 : memref<10112xf32, #tpu.memory_space<hbm>>) target_semaphore(%run_scoped3A : memref<!tpu.dma_semaphore, #tpu.memory_space<semaphore_mem>>)
      %dma_wait3A = arith.constant 0 : i32
      %dma_wait3A_14 = tpu.memref_slice %arg4[%add3A, %dma_wait3A] : memref<32x10112xf32, #tpu.memory_space<hbm>> -> memref<1x10112xf32, #tpu.memory_space<hbm>>
      %dma_wait3A_15 = tpu.memref_squeeze %dma_wait3A_14 : memref<1x10112xf32, #tpu.memory_space<hbm>> -> memref<10112xf32, #tpu.memory_space<hbm>>
      %dma_wait3A_16 = arith.constant 0 : i32
      %dma_wait3A_17 = tpu.memref_slice %arg4[%add3A, %dma_wait3A_16] : memref<32x10112xf32, #tpu.memory_space<hbm>> -> memref<1x10112xf32, #tpu.memory_space<hbm>>
      %dma_wait3A_18 = tpu.memref_squeeze %dma_wait3A_17 : memref<1x10112xf32, #tpu.memory_space<hbm>> -> memref<10112xf32, #tpu.memory_space<hbm>>
      tpu.wait_dma2 semaphore(%run_scoped3A : memref<!tpu.dma_semaphore, #tpu.memory_space<semaphore_mem>>) src(%arg6 : memref<10112xf32, #tpu.memory_space<vmem>>) dst(%dma_wait3A_18 : memref<10112xf32, #tpu.memory_space<hbm>>)
      tpu.yield
    }) : () -> ()
    return
  }
}

#map = affine_map<(d0, d1) -> (0, 0)>
#map1 = affine_map<(d0, d1) -> (0, 0, 0)>
module attributes {stable_mosaic.version = 14 : i64} {
  func.func @_agg_kernel(%arg0: i32, %arg1: i32, %arg2: memref<10112x128xf32, #tpu.memory_space<hbm>>, %arg3: memref<2560x128xi32, #tpu.memory_space<hbm>>, %arg4: memref<2560x128xi32, #tpu.memory_space<hbm>>, %arg5: memref<632x128xf32, #tpu.memory_space<hbm>>, %arg6: memref<2x10112x128xf32, #tpu.memory_space<hbm>>, %arg7: memref<40x128xi32, #tpu.memory_space<vmem>>, %arg8: memref<40x128xi32, #tpu.memory_space<vmem>>, %arg9: memref<128x128xf32, #tpu.memory_space<vmem>>, %arg10: memref<128x128xf32, #tpu.memory_space<vmem>>, %arg11: memref<10112x128xf32, #tpu.memory_space<vmem_shared>>, %arg12: memref<!tpu.dma_semaphore, #tpu.memory_space<semaphore_mem>>, %arg13: memref<!tpu.dma_semaphore, #tpu.memory_space<semaphore_mem>>, %arg14: memref<!tpu.dma_semaphore, #tpu.memory_space<semaphore_mem>>, %arg15: memref<!tpu.dma_semaphore, #tpu.memory_space<semaphore_mem>>) attributes {dimension_semantics = [#tpu.dimension_semantics<core_parallel>, #tpu.dimension_semantics<subcore_parallel>], iteration_bounds = array<i64: 2, 16>, scalar_prefetch = 0 : i64, scratch_operands = 9 : i64, tpu.core_type = #tpu.core_type<sc_vector_subcore>, window_params = [{transform_indices = #map}, {transform_indices = #map}, {transform_indices = #map}, {transform_indices = #map}, {transform_indices = #map1}]} {
    %mul3A = arith.constant 632 : i32
    %mul3A_0 = arith.muli %arg1, %mul3A : i32
    "tpu.region"() ({
      %run_scoped3A = tpu.sem_alloc : memref<!tpu.dma_semaphore, #tpu.memory_space<semaphore_mem>>
      %dma_start3A = arith.constant 0 : i32
      %dma_start3A_13 = tpu.memref_slice %arg11[%mul3A_0, %dma_start3A] : memref<10112x128xf32, #tpu.memory_space<vmem_shared>> -> memref<632x128xf32, #tpu.memory_space<vmem_shared>>
      tpu.enqueue_dma source(%arg5 : memref<632x128xf32, #tpu.memory_space<hbm>>) target(%dma_start3A_13 : memref<632x128xf32, #tpu.memory_space<vmem_shared>>) target_semaphore(%run_scoped3A : memref<!tpu.dma_semaphore, #tpu.memory_space<semaphore_mem>>)
      %dma_wait3A = arith.constant 0 : i32
      %dma_wait3A_14 = tpu.memref_slice %arg11[%mul3A_0, %dma_wait3A] : memref<10112x128xf32, #tpu.memory_space<vmem_shared>> -> memref<632x128xf32, #tpu.memory_space<vmem_shared>>
      tpu.wait_dma2 semaphore(%run_scoped3A : memref<!tpu.dma_semaphore, #tpu.memory_space<semaphore_mem>>) src(%arg5 : memref<632x128xf32, #tpu.memory_space<hbm>>) dst(%dma_wait3A_14 : memref<632x128xf32, #tpu.memory_space<vmem_shared>>)
      tpu.yield
    }) : () -> ()
    %barrier3A = arith.constant 0 : index
    tpu.barrier barrier_id(%barrier3A)
    %eq3A = arith.constant 0 : i32
    %eq3A_1 = arith.cmpi eq, %arg0, %eq3A : i32
    %convert_element_type3A = arith.extui %eq3A_1 : i1 to i32
    %cond3A = arith.constant 0 : i32
    %cond3A_2 = arith.cmpi ne, %convert_element_type3A, %cond3A : i32
    scf.if %cond3A_2 {
      %mul3A_13 = arith.constant 120 : i32
      %mul3A_14 = arith.muli %arg1, %mul3A_13 : i32
      %add3A = arith.constant 0 : i32
      %add3A_15 = arith.addi %mul3A_14, %add3A : i32
      "tpu.region"() ({
        %run_scoped3A = tpu.sem_alloc : memref<!tpu.dma_semaphore, #tpu.memory_space<semaphore_mem>>
        %dma_start3A_77 = arith.constant 0 : i32
        %dma_start3A_78 = arith.constant 0 : i32
        %dma_start3A_79 = tpu.memref_slice %arg7[%dma_start3A_77, %dma_start3A_78] : memref<40x128xi32, #tpu.memory_space<vmem>> -> memref<40x128xi32, #tpu.memory_space<vmem>>
        %dma_start3A_80 = arith.constant 0 : i32
        %dma_start3A_81 = tpu.memref_slice %arg3[%add3A_15, %dma_start3A_80] : memref<2560x128xi32, #tpu.memory_space<hbm>> -> memref<40x128xi32, #tpu.memory_space<hbm>>
        %dma_start3A_82 = arith.constant 0 : i32
        %dma_start3A_83 = arith.constant 0 : i32
        %dma_start3A_84 = tpu.memref_slice %arg7[%dma_start3A_82, %dma_start3A_83] : memref<40x128xi32, #tpu.memory_space<vmem>> -> memref<40x128xi32, #tpu.memory_space<vmem>>
        %dma_start3A_85 = arith.constant 0 : i32
        %dma_start3A_86 = tpu.memref_slice %arg3[%add3A_15, %dma_start3A_85] : memref<2560x128xi32, #tpu.memory_space<hbm>> -> memref<40x128xi32, #tpu.memory_space<hbm>>
        tpu.enqueue_dma source(%dma_start3A_86 : memref<40x128xi32, #tpu.memory_space<hbm>>) target(%dma_start3A_84 : memref<40x128xi32, #tpu.memory_space<vmem>>) target_semaphore(%run_scoped3A : memref<!tpu.dma_semaphore, #tpu.memory_space<semaphore_mem>>)
        %dma_wait3A_87 = arith.constant 0 : i32
        %dma_wait3A_88 = arith.constant 0 : i32
        %dma_wait3A_89 = tpu.memref_slice %arg7[%dma_wait3A_87, %dma_wait3A_88] : memref<40x128xi32, #tpu.memory_space<vmem>> -> memref<40x128xi32, #tpu.memory_space<vmem>>
        %dma_wait3A_90 = arith.constant 0 : i32
        %dma_wait3A_91 = tpu.memref_slice %arg3[%add3A_15, %dma_wait3A_90] : memref<2560x128xi32, #tpu.memory_space<hbm>> -> memref<40x128xi32, #tpu.memory_space<hbm>>
        %dma_wait3A_92 = arith.constant 0 : i32
        %dma_wait3A_93 = arith.constant 0 : i32
        %dma_wait3A_94 = tpu.memref_slice %arg7[%dma_wait3A_92, %dma_wait3A_93] : memref<40x128xi32, #tpu.memory_space<vmem>> -> memref<40x128xi32, #tpu.memory_space<vmem>>
        %dma_wait3A_95 = arith.constant 0 : i32
        %dma_wait3A_96 = tpu.memref_slice %arg3[%add3A_15, %dma_wait3A_95] : memref<2560x128xi32, #tpu.memory_space<hbm>> -> memref<40x128xi32, #tpu.memory_space<hbm>>
        tpu.wait_dma2 semaphore(%run_scoped3A : memref<!tpu.dma_semaphore, #tpu.memory_space<semaphore_mem>>) src(%dma_wait3A_96 : memref<40x128xi32, #tpu.memory_space<hbm>>) dst(%dma_wait3A_94 : memref<40x128xi32, #tpu.memory_space<vmem>>)
        tpu.yield
      }) : () -> ()
      "tpu.region"() ({
        %run_scoped3A = tpu.sem_alloc : memref<!tpu.dma_semaphore, #tpu.memory_space<semaphore_mem>>
        %dma_start3A_77 = arith.constant 0 : i32
        %dma_start3A_78 = arith.constant 0 : i32
        %dma_start3A_79 = tpu.memref_slice %arg8[%dma_start3A_77, %dma_start3A_78] : memref<40x128xi32, #tpu.memory_space<vmem>> -> memref<40x128xi32, #tpu.memory_space<vmem>>
        %dma_start3A_80 = arith.constant 0 : i32
        %dma_start3A_81 = tpu.memref_slice %arg4[%add3A_15, %dma_start3A_80] : memref<2560x128xi32, #tpu.memory_space<hbm>> -> memref<40x128xi32, #tpu.memory_space<hbm>>
        %dma_start3A_82 = arith.constant 0 : i32
        %dma_start3A_83 = arith.constant 0 : i32
        %dma_start3A_84 = tpu.memref_slice %arg8[%dma_start3A_82, %dma_start3A_83] : memref<40x128xi32, #tpu.memory_space<vmem>> -> memref<40x128xi32, #tpu.memory_space<vmem>>
        %dma_start3A_85 = arith.constant 0 : i32
        %dma_start3A_86 = tpu.memref_slice %arg4[%add3A_15, %dma_start3A_85] : memref<2560x128xi32, #tpu.memory_space<hbm>> -> memref<40x128xi32, #tpu.memory_space<hbm>>
        tpu.enqueue_dma source(%dma_start3A_86 : memref<40x128xi32, #tpu.memory_space<hbm>>) target(%dma_start3A_84 : memref<40x128xi32, #tpu.memory_space<vmem>>) target_semaphore(%run_scoped3A : memref<!tpu.dma_semaphore, #tpu.memory_space<semaphore_mem>>)
        %dma_wait3A_87 = arith.constant 0 : i32
        %dma_wait3A_88 = arith.constant 0 : i32
        %dma_wait3A_89 = tpu.memref_slice %arg8[%dma_wait3A_87, %dma_wait3A_88] : memref<40x128xi32, #tpu.memory_space<vmem>> -> memref<40x128xi32, #tpu.memory_space<vmem>>
        %dma_wait3A_90 = arith.constant 0 : i32
        %dma_wait3A_91 = tpu.memref_slice %arg4[%add3A_15, %dma_wait3A_90] : memref<2560x128xi32, #tpu.memory_space<hbm>> -> memref<40x128xi32, #tpu.memory_space<hbm>>
        %dma_wait3A_92 = arith.constant 0 : i32
        %dma_wait3A_93 = arith.constant 0 : i32
        %dma_wait3A_94 = tpu.memref_slice %arg8[%dma_wait3A_92, %dma_wait3A_93] : memref<40x128xi32, #tpu.memory_space<vmem>> -> memref<40x128xi32, #tpu.memory_space<vmem>>
        %dma_wait3A_95 = arith.constant 0 : i32
        %dma_wait3A_96 = tpu.memref_slice %arg4[%add3A_15, %dma_wait3A_95] : memref<2560x128xi32, #tpu.memory_space<hbm>> -> memref<40x128xi32, #tpu.memory_space<hbm>>
        tpu.wait_dma2 semaphore(%run_scoped3A : memref<!tpu.dma_semaphore, #tpu.memory_space<semaphore_mem>>) src(%dma_wait3A_96 : memref<40x128xi32, #tpu.memory_space<hbm>>) dst(%dma_wait3A_94 : memref<40x128xi32, #tpu.memory_space<vmem>>)
        tpu.yield
      }) : () -> ()
      %dma_start3A = arith.constant 0 : i32
      %dma_start3A_16 = arith.constant 0 : i32
      %dma_start3A_17 = tpu.memref_slice %arg7[%dma_start3A, %dma_start3A_16] : memref<40x128xi32, #tpu.memory_space<vmem>> -> memref<1x128xi32, #tpu.memory_space<vmem>>
      %dma_start3A_18 = tpu.memref_squeeze %dma_start3A_17 : memref<1x128xi32, #tpu.memory_space<vmem>> -> memref<128xi32, #tpu.memory_space<vmem>>
      %dma_start3A_19 = arith.constant 0 : i32
      %dma_start3A_20 = arith.constant 0 : i32
      %dma_start3A_21 = tpu.memref_slice %arg2[%dma_start3A_19, %dma_start3A_20] : memref<10112x128xf32, #tpu.memory_space<hbm>> -> memref<10112x128xf32, #tpu.memory_space<hbm>>
      tpu.enqueue_indirect_dma source(%dma_start3A_21 : memref<10112x128xf32, #tpu.memory_space<hbm>>) target(%arg9 : memref<128x128xf32, #tpu.memory_space<vmem>>) offsets(%dma_start3A_18 : memref<128xi32, #tpu.memory_space<vmem>>) semaphore(%arg12 : memref<!tpu.dma_semaphore, #tpu.memory_space<semaphore_mem>>)
      %scan3A = arith.constant 0 : i32
      %scan3A_22 = arith.constant 0 : i32
      %scan3A_23 = arith.constant 20 : i32
      %scan3A_24 = arith.addi %scan3A_22, %scan3A_23 : i32
      %scan3A_25 = arith.constant 1 : i32
      scf.for %scan3A_77 = %scan3A_22 to %scan3A_24 step %scan3A_25  : i32 {
        %mul3A_78 = arith.constant 2 : i32
        %mul3A_79 = arith.muli %scan3A_77, %mul3A_78 : i32
        %dma_wait3A_80 = arith.constant 0 : i32
        %dma_wait3A_81 = tpu.memref_slice %arg7[%mul3A_79, %dma_wait3A_80] : memref<40x128xi32, #tpu.memory_space<vmem>> -> memref<1x128xi32, #tpu.memory_space<vmem>>
        %dma_wait3A_82 = tpu.memref_squeeze %dma_wait3A_81 : memref<1x128xi32, #tpu.memory_space<vmem>> -> memref<128xi32, #tpu.memory_space<vmem>>
        %dma_wait3A_83 = arith.constant 0 : i32
        %dma_wait3A_84 = arith.constant 0 : i32
        %dma_wait3A_85 = tpu.memref_slice %arg2[%dma_wait3A_83, %dma_wait3A_84] : memref<10112x128xf32, #tpu.memory_space<hbm>> -> memref<10112x128xf32, #tpu.memory_space<hbm>>
        tpu.wait_indirect_dma semaphore(%arg12 : memref<!tpu.dma_semaphore, #tpu.memory_space<semaphore_mem>>) src(%dma_wait3A_85 : memref<10112x128xf32, #tpu.memory_space<hbm>>) dst(%arg9 : memref<128x128xf32, #tpu.memory_space<vmem>>)
        %dma_start3A_86 = arith.constant 0 : i32
        %dma_start3A_87 = tpu.memref_slice %arg8[%mul3A_79, %dma_start3A_86] : memref<40x128xi32, #tpu.memory_space<vmem>> -> memref<1x128xi32, #tpu.memory_space<vmem>>
        %dma_start3A_88 = tpu.memref_squeeze %dma_start3A_87 : memref<1x128xi32, #tpu.memory_space<vmem>> -> memref<128xi32, #tpu.memory_space<vmem>>
        %dma_start3A_89 = arith.constant 0 : i32
        %dma_start3A_90 = arith.constant 0 : i32
        %dma_start3A_91 = tpu.memref_slice %arg11[%dma_start3A_89, %dma_start3A_90] : memref<10112x128xf32, #tpu.memory_space<vmem_shared>> -> memref<10112x128xf32, #tpu.memory_space<vmem_shared>>
        tpu.enqueue_indirect_dma source(%arg9 : memref<128x128xf32, #tpu.memory_space<vmem>>) target(%dma_start3A_91 : memref<10112x128xf32, #tpu.memory_space<vmem_shared>>) offsets(%dma_start3A_88 : memref<128xi32, #tpu.memory_space<vmem>>) semaphore(%arg14 : memref<!tpu.dma_semaphore, #tpu.memory_space<semaphore_mem>>) {add = true}
        %gt3A = arith.constant 0 : i32
        %gt3A_92 = arith.cmpi sgt, %scan3A_77, %gt3A : i32
        %convert_element_type3A_93 = arith.extui %gt3A_92 : i1 to i32
        %cond3A_94 = arith.constant 0 : i32
        %cond3A_95 = arith.cmpi ne, %convert_element_type3A_93, %cond3A_94 : i32
        scf.if %cond3A_95 {
          %sub3A = arith.constant 1 : i32
          %sub3A_130 = arith.subi %mul3A_79, %sub3A : i32
          %dma_wait3A_131 = arith.constant 0 : i32
          %dma_wait3A_132 = tpu.memref_slice %arg8[%sub3A_130, %dma_wait3A_131] : memref<40x128xi32, #tpu.memory_space<vmem>> -> memref<1x128xi32, #tpu.memory_space<vmem>>
          %dma_wait3A_133 = tpu.memref_squeeze %dma_wait3A_132 : memref<1x128xi32, #tpu.memory_space<vmem>> -> memref<128xi32, #tpu.memory_space<vmem>>
          %dma_wait3A_134 = arith.constant 0 : i32
          %dma_wait3A_135 = arith.constant 0 : i32
          %dma_wait3A_136 = tpu.memref_slice %arg11[%dma_wait3A_134, %dma_wait3A_135] : memref<10112x128xf32, #tpu.memory_space<vmem_shared>> -> memref<10112x128xf32, #tpu.memory_space<vmem_shared>>
          tpu.wait_indirect_dma semaphore(%arg15 : memref<!tpu.dma_semaphore, #tpu.memory_space<semaphore_mem>>) src(%arg10 : memref<128x128xf32, #tpu.memory_space<vmem>>) dst(%dma_wait3A_136 : memref<10112x128xf32, #tpu.memory_space<vmem_shared>>)
        } else {
        }
        %add3A_96 = arith.constant 1 : i32
        %add3A_97 = arith.addi %mul3A_79, %add3A_96 : i32
        %dma_start3A_98 = arith.constant 0 : i32
        %dma_start3A_99 = tpu.memref_slice %arg7[%add3A_97, %dma_start3A_98] : memref<40x128xi32, #tpu.memory_space<vmem>> -> memref<1x128xi32, #tpu.memory_space<vmem>>
        %dma_start3A_100 = tpu.memref_squeeze %dma_start3A_99 : memref<1x128xi32, #tpu.memory_space<vmem>> -> memref<128xi32, #tpu.memory_space<vmem>>
        %dma_start3A_101 = arith.constant 0 : i32
        %dma_start3A_102 = arith.constant 0 : i32
        %dma_start3A_103 = tpu.memref_slice %arg2[%dma_start3A_101, %dma_start3A_102] : memref<10112x128xf32, #tpu.memory_space<hbm>> -> memref<10112x128xf32, #tpu.memory_space<hbm>>
        tpu.enqueue_indirect_dma source(%dma_start3A_103 : memref<10112x128xf32, #tpu.memory_space<hbm>>) target(%arg10 : memref<128x128xf32, #tpu.memory_space<vmem>>) offsets(%dma_start3A_100 : memref<128xi32, #tpu.memory_space<vmem>>) semaphore(%arg13 : memref<!tpu.dma_semaphore, #tpu.memory_space<semaphore_mem>>)
        %dma_wait3A_104 = arith.constant 0 : i32
        %dma_wait3A_105 = tpu.memref_slice %arg8[%mul3A_79, %dma_wait3A_104] : memref<40x128xi32, #tpu.memory_space<vmem>> -> memref<1x128xi32, #tpu.memory_space<vmem>>
        %dma_wait3A_106 = tpu.memref_squeeze %dma_wait3A_105 : memref<1x128xi32, #tpu.memory_space<vmem>> -> memref<128xi32, #tpu.memory_space<vmem>>
        %dma_wait3A_107 = arith.constant 0 : i32
        %dma_wait3A_108 = arith.constant 0 : i32
        %dma_wait3A_109 = tpu.memref_slice %arg11[%dma_wait3A_107, %dma_wait3A_108] : memref<10112x128xf32, #tpu.memory_space<vmem_shared>> -> memref<10112x128xf32, #tpu.memory_space<vmem_shared>>
        tpu.wait_indirect_dma semaphore(%arg14 : memref<!tpu.dma_semaphore, #tpu.memory_space<semaphore_mem>>) src(%arg9 : memref<128x128xf32, #tpu.memory_space<vmem>>) dst(%dma_wait3A_109 : memref<10112x128xf32, #tpu.memory_space<vmem_shared>>)
        %lt3A = arith.constant 19 : i32
        %lt3A_110 = arith.cmpi slt, %scan3A_77, %lt3A : i32
        %convert_element_type3A_111 = arith.extui %lt3A_110 : i1 to i32
        %cond3A_112 = arith.constant 0 : i32
        %cond3A_113 = arith.cmpi ne, %convert_element_type3A_111, %cond3A_112 : i32
        scf.if %cond3A_113 {
          %add3A_130 = arith.constant 2 : i32
          %add3A_131 = arith.addi %mul3A_79, %add3A_130 : i32
          %dma_start3A_132 = arith.constant 0 : i32
          %dma_start3A_133 = tpu.memref_slice %arg7[%add3A_131, %dma_start3A_132] : memref<40x128xi32, #tpu.memory_space<vmem>> -> memref<1x128xi32, #tpu.memory_space<vmem>>
          %dma_start3A_134 = tpu.memref_squeeze %dma_start3A_133 : memref<1x128xi32, #tpu.memory_space<vmem>> -> memref<128xi32, #tpu.memory_space<vmem>>
          %dma_start3A_135 = arith.constant 0 : i32
          %dma_start3A_136 = arith.constant 0 : i32
          %dma_start3A_137 = tpu.memref_slice %arg2[%dma_start3A_135, %dma_start3A_136] : memref<10112x128xf32, #tpu.memory_space<hbm>> -> memref<10112x128xf32, #tpu.memory_space<hbm>>
          tpu.enqueue_indirect_dma source(%dma_start3A_137 : memref<10112x128xf32, #tpu.memory_space<hbm>>) target(%arg9 : memref<128x128xf32, #tpu.memory_space<vmem>>) offsets(%dma_start3A_134 : memref<128xi32, #tpu.memory_space<vmem>>) semaphore(%arg12 : memref<!tpu.dma_semaphore, #tpu.memory_space<semaphore_mem>>)
        } else {
        }
        %add3A_114 = arith.constant 1 : i32
        %add3A_115 = arith.addi %mul3A_79, %add3A_114 : i32
        %dma_wait3A_116 = arith.constant 0 : i32
        %dma_wait3A_117 = tpu.memref_slice %arg7[%add3A_115, %dma_wait3A_116] : memref<40x128xi32, #tpu.memory_space<vmem>> -> memref<1x128xi32, #tpu.memory_space<vmem>>
        %dma_wait3A_118 = tpu.memref_squeeze %dma_wait3A_117 : memref<1x128xi32, #tpu.memory_space<vmem>> -> memref<128xi32, #tpu.memory_space<vmem>>
        %dma_wait3A_119 = arith.constant 0 : i32
        %dma_wait3A_120 = arith.constant 0 : i32
        %dma_wait3A_121 = tpu.memref_slice %arg2[%dma_wait3A_119, %dma_wait3A_120] : memref<10112x128xf32, #tpu.memory_space<hbm>> -> memref<10112x128xf32, #tpu.memory_space<hbm>>
        tpu.wait_indirect_dma semaphore(%arg13 : memref<!tpu.dma_semaphore, #tpu.memory_space<semaphore_mem>>) src(%dma_wait3A_121 : memref<10112x128xf32, #tpu.memory_space<hbm>>) dst(%arg10 : memref<128x128xf32, #tpu.memory_space<vmem>>)
        %add3A_122 = arith.constant 1 : i32
        %add3A_123 = arith.addi %mul3A_79, %add3A_122 : i32
        %dma_start3A_124 = arith.constant 0 : i32
        %dma_start3A_125 = tpu.memref_slice %arg8[%add3A_123, %dma_start3A_124] : memref<40x128xi32, #tpu.memory_space<vmem>> -> memref<1x128xi32, #tpu.memory_space<vmem>>
        %dma_start3A_126 = tpu.memref_squeeze %dma_start3A_125 : memref<1x128xi32, #tpu.memory_space<vmem>> -> memref<128xi32, #tpu.memory_space<vmem>>
        %dma_start3A_127 = arith.constant 0 : i32
        %dma_start3A_128 = arith.constant 0 : i32
        %dma_start3A_129 = tpu.memref_slice %arg11[%dma_start3A_127, %dma_start3A_128] : memref<10112x128xf32, #tpu.memory_space<vmem_shared>> -> memref<10112x128xf32, #tpu.memory_space<vmem_shared>>
        tpu.enqueue_indirect_dma source(%arg10 : memref<128x128xf32, #tpu.memory_space<vmem>>) target(%dma_start3A_129 : memref<10112x128xf32, #tpu.memory_space<vmem_shared>>) offsets(%dma_start3A_126 : memref<128xi32, #tpu.memory_space<vmem>>) semaphore(%arg15 : memref<!tpu.dma_semaphore, #tpu.memory_space<semaphore_mem>>) {add = true}
      }
      %scan3A_26 = arith.constant 20 : i32
      %dma_wait3A = arith.constant 39 : i32
      %dma_wait3A_27 = arith.constant 0 : i32
      %dma_wait3A_28 = tpu.memref_slice %arg8[%dma_wait3A, %dma_wait3A_27] : memref<40x128xi32, #tpu.memory_space<vmem>> -> memref<1x128xi32, #tpu.memory_space<vmem>>
      %dma_wait3A_29 = tpu.memref_squeeze %dma_wait3A_28 : memref<1x128xi32, #tpu.memory_space<vmem>> -> memref<128xi32, #tpu.memory_space<vmem>>
      %dma_wait3A_30 = arith.constant 0 : i32
      %dma_wait3A_31 = arith.constant 0 : i32
      %dma_wait3A_32 = tpu.memref_slice %arg11[%dma_wait3A_30, %dma_wait3A_31] : memref<10112x128xf32, #tpu.memory_space<vmem_shared>> -> memref<10112x128xf32, #tpu.memory_space<vmem_shared>>
      tpu.wait_indirect_dma semaphore(%arg15 : memref<!tpu.dma_semaphore, #tpu.memory_space<semaphore_mem>>) src(%arg10 : memref<128x128xf32, #tpu.memory_space<vmem>>) dst(%dma_wait3A_32 : memref<10112x128xf32, #tpu.memory_space<vmem_shared>>)
      %add3A_33 = arith.constant 40 : i32
      %add3A_34 = arith.addi %mul3A_14, %add3A_33 : i32
      "tpu.region"() ({
        %run_scoped3A = tpu.sem_alloc : memref<!tpu.dma_semaphore, #tpu.memory_space<semaphore_mem>>
        %dma_start3A_77 = arith.constant 0 : i32
        %dma_start3A_78 = arith.constant 0 : i32
        %dma_start3A_79 = tpu.memref_slice %arg7[%dma_start3A_77, %dma_start3A_78] : memref<40x128xi32, #tpu.memory_space<vmem>> -> memref<40x128xi32, #tpu.memory_space<vmem>>
        %dma_start3A_80 = arith.constant 0 : i32
        %dma_start3A_81 = tpu.memref_slice %arg3[%add3A_34, %dma_start3A_80] : memref<2560x128xi32, #tpu.memory_space<hbm>> -> memref<40x128xi32, #tpu.memory_space<hbm>>
        %dma_start3A_82 = arith.constant 0 : i32
        %dma_start3A_83 = arith.constant 0 : i32
        %dma_start3A_84 = tpu.memref_slice %arg7[%dma_start3A_82, %dma_start3A_83] : memref<40x128xi32, #tpu.memory_space<vmem>> -> memref<40x128xi32, #tpu.memory_space<vmem>>
        %dma_start3A_85 = arith.constant 0 : i32
        %dma_start3A_86 = tpu.memref_slice %arg3[%add3A_34, %dma_start3A_85] : memref<2560x128xi32, #tpu.memory_space<hbm>> -> memref<40x128xi32, #tpu.memory_space<hbm>>
        tpu.enqueue_dma source(%dma_start3A_86 : memref<40x128xi32, #tpu.memory_space<hbm>>) target(%dma_start3A_84 : memref<40x128xi32, #tpu.memory_space<vmem>>) target_semaphore(%run_scoped3A : memref<!tpu.dma_semaphore, #tpu.memory_space<semaphore_mem>>)
        %dma_wait3A_87 = arith.constant 0 : i32
        %dma_wait3A_88 = arith.constant 0 : i32
        %dma_wait3A_89 = tpu.memref_slice %arg7[%dma_wait3A_87, %dma_wait3A_88] : memref<40x128xi32, #tpu.memory_space<vmem>> -> memref<40x128xi32, #tpu.memory_space<vmem>>
        %dma_wait3A_90 = arith.constant 0 : i32
        %dma_wait3A_91 = tpu.memref_slice %arg3[%add3A_34, %dma_wait3A_90] : memref<2560x128xi32, #tpu.memory_space<hbm>> -> memref<40x128xi32, #tpu.memory_space<hbm>>
        %dma_wait3A_92 = arith.constant 0 : i32
        %dma_wait3A_93 = arith.constant 0 : i32
        %dma_wait3A_94 = tpu.memref_slice %arg7[%dma_wait3A_92, %dma_wait3A_93] : memref<40x128xi32, #tpu.memory_space<vmem>> -> memref<40x128xi32, #tpu.memory_space<vmem>>
        %dma_wait3A_95 = arith.constant 0 : i32
        %dma_wait3A_96 = tpu.memref_slice %arg3[%add3A_34, %dma_wait3A_95] : memref<2560x128xi32, #tpu.memory_space<hbm>> -> memref<40x128xi32, #tpu.memory_space<hbm>>
        tpu.wait_dma2 semaphore(%run_scoped3A : memref<!tpu.dma_semaphore, #tpu.memory_space<semaphore_mem>>) src(%dma_wait3A_96 : memref<40x128xi32, #tpu.memory_space<hbm>>) dst(%dma_wait3A_94 : memref<40x128xi32, #tpu.memory_space<vmem>>)
        tpu.yield
      }) : () -> ()
      "tpu.region"() ({
        %run_scoped3A = tpu.sem_alloc : memref<!tpu.dma_semaphore, #tpu.memory_space<semaphore_mem>>
        %dma_start3A_77 = arith.constant 0 : i32
        %dma_start3A_78 = arith.constant 0 : i32
        %dma_start3A_79 = tpu.memref_slice %arg8[%dma_start3A_77, %dma_start3A_78] : memref<40x128xi32, #tpu.memory_space<vmem>> -> memref<40x128xi32, #tpu.memory_space<vmem>>
        %dma_start3A_80 = arith.constant 0 : i32
        %dma_start3A_81 = tpu.memref_slice %arg4[%add3A_34, %dma_start3A_80] : memref<2560x128xi32, #tpu.memory_space<hbm>> -> memref<40x128xi32, #tpu.memory_space<hbm>>
        %dma_start3A_82 = arith.constant 0 : i32
        %dma_start3A_83 = arith.constant 0 : i32
        %dma_start3A_84 = tpu.memref_slice %arg8[%dma_start3A_82, %dma_start3A_83] : memref<40x128xi32, #tpu.memory_space<vmem>> -> memref<40x128xi32, #tpu.memory_space<vmem>>
        %dma_start3A_85 = arith.constant 0 : i32
        %dma_start3A_86 = tpu.memref_slice %arg4[%add3A_34, %dma_start3A_85] : memref<2560x128xi32, #tpu.memory_space<hbm>> -> memref<40x128xi32, #tpu.memory_space<hbm>>
        tpu.enqueue_dma source(%dma_start3A_86 : memref<40x128xi32, #tpu.memory_space<hbm>>) target(%dma_start3A_84 : memref<40x128xi32, #tpu.memory_space<vmem>>) target_semaphore(%run_scoped3A : memref<!tpu.dma_semaphore, #tpu.memory_space<semaphore_mem>>)
        %dma_wait3A_87 = arith.constant 0 : i32
        %dma_wait3A_88 = arith.constant 0 : i32
        %dma_wait3A_89 = tpu.memref_slice %arg8[%dma_wait3A_87, %dma_wait3A_88] : memref<40x128xi32, #tpu.memory_space<vmem>> -> memref<40x128xi32, #tpu.memory_space<vmem>>
        %dma_wait3A_90 = arith.constant 0 : i32
        %dma_wait3A_91 = tpu.memref_slice %arg4[%add3A_34, %dma_wait3A_90] : memref<2560x128xi32, #tpu.memory_space<hbm>> -> memref<40x128xi32, #tpu.memory_space<hbm>>
        %dma_wait3A_92 = arith.constant 0 : i32
        %dma_wait3A_93 = arith.constant 0 : i32
        %dma_wait3A_94 = tpu.memref_slice %arg8[%dma_wait3A_92, %dma_wait3A_93] : memref<40x128xi32, #tpu.memory_space<vmem>> -> memref<40x128xi32, #tpu.memory_space<vmem>>
        %dma_wait3A_95 = arith.constant 0 : i32
        %dma_wait3A_96 = tpu.memref_slice %arg4[%add3A_34, %dma_wait3A_95] : memref<2560x128xi32, #tpu.memory_space<hbm>> -> memref<40x128xi32, #tpu.memory_space<hbm>>
        tpu.wait_dma2 semaphore(%run_scoped3A : memref<!tpu.dma_semaphore, #tpu.memory_space<semaphore_mem>>) src(%dma_wait3A_96 : memref<40x128xi32, #tpu.memory_space<hbm>>) dst(%dma_wait3A_94 : memref<40x128xi32, #tpu.memory_space<vmem>>)
        tpu.yield
      }) : () -> ()
      %dma_start3A_35 = arith.constant 0 : i32
      %dma_start3A_36 = arith.constant 0 : i32
      %dma_start3A_37 = tpu.memref_slice %arg7[%dma_start3A_35, %dma_start3A_36] : memref<40x128xi32, #tpu.memory_space<vmem>> -> memref<1x128xi32, #tpu.memory_space<vmem>>
      %dma_start3A_38 = tpu.memref_squeeze %dma_start3A_37 : memref<1x128xi32, #tpu.memory_space<vmem>> -> memref<128xi32, #tpu.memory_space<vmem>>
      %dma_start3A_39 = arith.constant 0 : i32
      %dma_start3A_40 = arith.constant 0 : i32
      %dma_start3A_41 = tpu.memref_slice %arg2[%dma_start3A_39, %dma_start3A_40] : memref<10112x128xf32, #tpu.memory_space<hbm>> -> memref<10112x128xf32, #tpu.memory_space<hbm>>
      tpu.enqueue_indirect_dma source(%dma_start3A_41 : memref<10112x128xf32, #tpu.memory_space<hbm>>) target(%arg9 : memref<128x128xf32, #tpu.memory_space<vmem>>) offsets(%dma_start3A_38 : memref<128xi32, #tpu.memory_space<vmem>>) semaphore(%arg12 : memref<!tpu.dma_semaphore, #tpu.memory_space<semaphore_mem>>)
      %scan3A_42 = arith.constant 0 : i32
      %scan3A_43 = arith.constant 0 : i32
      %scan3A_44 = arith.constant 20 : i32
      %scan3A_45 = arith.addi %scan3A_43, %scan3A_44 : i32
      %scan3A_46 = arith.constant 1 : i32
      scf.for %scan3A_77 = %scan3A_43 to %scan3A_45 step %scan3A_46  : i32 {
        %mul3A_78 = arith.constant 2 : i32
        %mul3A_79 = arith.muli %scan3A_77, %mul3A_78 : i32
        %dma_wait3A_80 = arith.constant 0 : i32
        %dma_wait3A_81 = tpu.memref_slice %arg7[%mul3A_79, %dma_wait3A_80] : memref<40x128xi32, #tpu.memory_space<vmem>> -> memref<1x128xi32, #tpu.memory_space<vmem>>
        %dma_wait3A_82 = tpu.memref_squeeze %dma_wait3A_81 : memref<1x128xi32, #tpu.memory_space<vmem>> -> memref<128xi32, #tpu.memory_space<vmem>>
        %dma_wait3A_83 = arith.constant 0 : i32
        %dma_wait3A_84 = arith.constant 0 : i32
        %dma_wait3A_85 = tpu.memref_slice %arg2[%dma_wait3A_83, %dma_wait3A_84] : memref<10112x128xf32, #tpu.memory_space<hbm>> -> memref<10112x128xf32, #tpu.memory_space<hbm>>
        tpu.wait_indirect_dma semaphore(%arg12 : memref<!tpu.dma_semaphore, #tpu.memory_space<semaphore_mem>>) src(%dma_wait3A_85 : memref<10112x128xf32, #tpu.memory_space<hbm>>) dst(%arg9 : memref<128x128xf32, #tpu.memory_space<vmem>>)
        %dma_start3A_86 = arith.constant 0 : i32
        %dma_start3A_87 = tpu.memref_slice %arg8[%mul3A_79, %dma_start3A_86] : memref<40x128xi32, #tpu.memory_space<vmem>> -> memref<1x128xi32, #tpu.memory_space<vmem>>
        %dma_start3A_88 = tpu.memref_squeeze %dma_start3A_87 : memref<1x128xi32, #tpu.memory_space<vmem>> -> memref<128xi32, #tpu.memory_space<vmem>>
        %dma_start3A_89 = arith.constant 0 : i32
        %dma_start3A_90 = arith.constant 0 : i32
        %dma_start3A_91 = tpu.memref_slice %arg11[%dma_start3A_89, %dma_start3A_90] : memref<10112x128xf32, #tpu.memory_space<vmem_shared>> -> memref<10112x128xf32, #tpu.memory_space<vmem_shared>>
        tpu.enqueue_indirect_dma source(%arg9 : memref<128x128xf32, #tpu.memory_space<vmem>>) target(%dma_start3A_91 : memref<10112x128xf32, #tpu.memory_space<vmem_shared>>) offsets(%dma_start3A_88 : memref<128xi32, #tpu.memory_space<vmem>>) semaphore(%arg14 : memref<!tpu.dma_semaphore, #tpu.memory_space<semaphore_mem>>) {add = true}
        %gt3A = arith.constant 0 : i32
        %gt3A_92 = arith.cmpi sgt, %scan3A_77, %gt3A : i32
        %convert_element_type3A_93 = arith.extui %gt3A_92 : i1 to i32
        %cond3A_94 = arith.constant 0 : i32
        %cond3A_95 = arith.cmpi ne, %convert_element_type3A_93, %cond3A_94 : i32
        scf.if %cond3A_95 {
          %sub3A = arith.constant 1 : i32
          %sub3A_130 = arith.subi %mul3A_79, %sub3A : i32
          %dma_wait3A_131 = arith.constant 0 : i32
          %dma_wait3A_132 = tpu.memref_slice %arg8[%sub3A_130, %dma_wait3A_131] : memref<40x128xi32, #tpu.memory_space<vmem>> -> memref<1x128xi32, #tpu.memory_space<vmem>>
          %dma_wait3A_133 = tpu.memref_squeeze %dma_wait3A_132 : memref<1x128xi32, #tpu.memory_space<vmem>> -> memref<128xi32, #tpu.memory_space<vmem>>
          %dma_wait3A_134 = arith.constant 0 : i32
          %dma_wait3A_135 = arith.constant 0 : i32
          %dma_wait3A_136 = tpu.memref_slice %arg11[%dma_wait3A_134, %dma_wait3A_135] : memref<10112x128xf32, #tpu.memory_space<vmem_shared>> -> memref<10112x128xf32, #tpu.memory_space<vmem_shared>>
          tpu.wait_indirect_dma semaphore(%arg15 : memref<!tpu.dma_semaphore, #tpu.memory_space<semaphore_mem>>) src(%arg10 : memref<128x128xf32, #tpu.memory_space<vmem>>) dst(%dma_wait3A_136 : memref<10112x128xf32, #tpu.memory_space<vmem_shared>>)
        } else {
        }
        %add3A_96 = arith.constant 1 : i32
        %add3A_97 = arith.addi %mul3A_79, %add3A_96 : i32
        %dma_start3A_98 = arith.constant 0 : i32
        %dma_start3A_99 = tpu.memref_slice %arg7[%add3A_97, %dma_start3A_98] : memref<40x128xi32, #tpu.memory_space<vmem>> -> memref<1x128xi32, #tpu.memory_space<vmem>>
        %dma_start3A_100 = tpu.memref_squeeze %dma_start3A_99 : memref<1x128xi32, #tpu.memory_space<vmem>> -> memref<128xi32, #tpu.memory_space<vmem>>
        %dma_start3A_101 = arith.constant 0 : i32
        %dma_start3A_102 = arith.constant 0 : i32
        %dma_start3A_103 = tpu.memref_slice %arg2[%dma_start3A_101, %dma_start3A_102] : memref<10112x128xf32, #tpu.memory_space<hbm>> -> memref<10112x128xf32, #tpu.memory_space<hbm>>
        tpu.enqueue_indirect_dma source(%dma_start3A_103 : memref<10112x128xf32, #tpu.memory_space<hbm>>) target(%arg10 : memref<128x128xf32, #tpu.memory_space<vmem>>) offsets(%dma_start3A_100 : memref<128xi32, #tpu.memory_space<vmem>>) semaphore(%arg13 : memref<!tpu.dma_semaphore, #tpu.memory_space<semaphore_mem>>)
        %dma_wait3A_104 = arith.constant 0 : i32
        %dma_wait3A_105 = tpu.memref_slice %arg8[%mul3A_79, %dma_wait3A_104] : memref<40x128xi32, #tpu.memory_space<vmem>> -> memref<1x128xi32, #tpu.memory_space<vmem>>
        %dma_wait3A_106 = tpu.memref_squeeze %dma_wait3A_105 : memref<1x128xi32, #tpu.memory_space<vmem>> -> memref<128xi32, #tpu.memory_space<vmem>>
        %dma_wait3A_107 = arith.constant 0 : i32
        %dma_wait3A_108 = arith.constant 0 : i32
        %dma_wait3A_109 = tpu.memref_slice %arg11[%dma_wait3A_107, %dma_wait3A_108] : memref<10112x128xf32, #tpu.memory_space<vmem_shared>> -> memref<10112x128xf32, #tpu.memory_space<vmem_shared>>
        tpu.wait_indirect_dma semaphore(%arg14 : memref<!tpu.dma_semaphore, #tpu.memory_space<semaphore_mem>>) src(%arg9 : memref<128x128xf32, #tpu.memory_space<vmem>>) dst(%dma_wait3A_109 : memref<10112x128xf32, #tpu.memory_space<vmem_shared>>)
        %lt3A = arith.constant 19 : i32
        %lt3A_110 = arith.cmpi slt, %scan3A_77, %lt3A : i32
        %convert_element_type3A_111 = arith.extui %lt3A_110 : i1 to i32
        %cond3A_112 = arith.constant 0 : i32
        %cond3A_113 = arith.cmpi ne, %convert_element_type3A_111, %cond3A_112 : i32
        scf.if %cond3A_113 {
          %add3A_130 = arith.constant 2 : i32
          %add3A_131 = arith.addi %mul3A_79, %add3A_130 : i32
          %dma_start3A_132 = arith.constant 0 : i32
          %dma_start3A_133 = tpu.memref_slice %arg7[%add3A_131, %dma_start3A_132] : memref<40x128xi32, #tpu.memory_space<vmem>> -> memref<1x128xi32, #tpu.memory_space<vmem>>
          %dma_start3A_134 = tpu.memref_squeeze %dma_start3A_133 : memref<1x128xi32, #tpu.memory_space<vmem>> -> memref<128xi32, #tpu.memory_space<vmem>>
          %dma_start3A_135 = arith.constant 0 : i32
          %dma_start3A_136 = arith.constant 0 : i32
          %dma_start3A_137 = tpu.memref_slice %arg2[%dma_start3A_135, %dma_start3A_136] : memref<10112x128xf32, #tpu.memory_space<hbm>> -> memref<10112x128xf32, #tpu.memory_space<hbm>>
          tpu.enqueue_indirect_dma source(%dma_start3A_137 : memref<10112x128xf32, #tpu.memory_space<hbm>>) target(%arg9 : memref<128x128xf32, #tpu.memory_space<vmem>>) offsets(%dma_start3A_134 : memref<128xi32, #tpu.memory_space<vmem>>) semaphore(%arg12 : memref<!tpu.dma_semaphore, #tpu.memory_space<semaphore_mem>>)
        } else {
        }
        %add3A_114 = arith.constant 1 : i32
        %add3A_115 = arith.addi %mul3A_79, %add3A_114 : i32
        %dma_wait3A_116 = arith.constant 0 : i32
        %dma_wait3A_117 = tpu.memref_slice %arg7[%add3A_115, %dma_wait3A_116] : memref<40x128xi32, #tpu.memory_space<vmem>> -> memref<1x128xi32, #tpu.memory_space<vmem>>
        %dma_wait3A_118 = tpu.memref_squeeze %dma_wait3A_117 : memref<1x128xi32, #tpu.memory_space<vmem>> -> memref<128xi32, #tpu.memory_space<vmem>>
        %dma_wait3A_119 = arith.constant 0 : i32
        %dma_wait3A_120 = arith.constant 0 : i32
        %dma_wait3A_121 = tpu.memref_slice %arg2[%dma_wait3A_119, %dma_wait3A_120] : memref<10112x128xf32, #tpu.memory_space<hbm>> -> memref<10112x128xf32, #tpu.memory_space<hbm>>
        tpu.wait_indirect_dma semaphore(%arg13 : memref<!tpu.dma_semaphore, #tpu.memory_space<semaphore_mem>>) src(%dma_wait3A_121 : memref<10112x128xf32, #tpu.memory_space<hbm>>) dst(%arg10 : memref<128x128xf32, #tpu.memory_space<vmem>>)
        %add3A_122 = arith.constant 1 : i32
        %add3A_123 = arith.addi %mul3A_79, %add3A_122 : i32
        %dma_start3A_124 = arith.constant 0 : i32
        %dma_start3A_125 = tpu.memref_slice %arg8[%add3A_123, %dma_start3A_124] : memref<40x128xi32, #tpu.memory_space<vmem>> -> memref<1x128xi32, #tpu.memory_space<vmem>>
        %dma_start3A_126 = tpu.memref_squeeze %dma_start3A_125 : memref<1x128xi32, #tpu.memory_space<vmem>> -> memref<128xi32, #tpu.memory_space<vmem>>
        %dma_start3A_127 = arith.constant 0 : i32
        %dma_start3A_128 = arith.constant 0 : i32
        %dma_start3A_129 = tpu.memref_slice %arg11[%dma_start3A_127, %dma_start3A_128] : memref<10112x128xf32, #tpu.memory_space<vmem_shared>> -> memref<10112x128xf32, #tpu.memory_space<vmem_shared>>
        tpu.enqueue_indirect_dma source(%arg10 : memref<128x128xf32, #tpu.memory_space<vmem>>) target(%dma_start3A_129 : memref<10112x128xf32, #tpu.memory_space<vmem_shared>>) offsets(%dma_start3A_126 : memref<128xi32, #tpu.memory_space<vmem>>) semaphore(%arg15 : memref<!tpu.dma_semaphore, #tpu.memory_space<semaphore_mem>>) {add = true}
      }
      %scan3A_47 = arith.constant 20 : i32
      %dma_wait3A_48 = arith.constant 39 : i32
      %dma_wait3A_49 = arith.constant 0 : i32
      %dma_wait3A_50 = tpu.memref_slice %arg8[%dma_wait3A_48, %dma_wait3A_49] : memref<40x128xi32, #tpu.memory_space<vmem>> -> memref<1x128xi32, #tpu.memory_space<vmem>>
      %dma_wait3A_51 = tpu.memref_squeeze %dma_wait3A_50 : memref<1x128xi32, #tpu.memory_space<vmem>> -> memref<128xi32, #tpu.memory_space<vmem>>
      %dma_wait3A_52 = arith.constant 0 : i32
      %dma_wait3A_53 = arith.constant 0 : i32
      %dma_wait3A_54 = tpu.memref_slice %arg11[%dma_wait3A_52, %dma_wait3A_53] : memref<10112x128xf32, #tpu.memory_space<vmem_shared>> -> memref<10112x128xf32, #tpu.memory_space<vmem_shared>>
      tpu.wait_indirect_dma semaphore(%arg15 : memref<!tpu.dma_semaphore, #tpu.memory_space<semaphore_mem>>) src(%arg10 : memref<128x128xf32, #tpu.memory_space<vmem>>) dst(%dma_wait3A_54 : memref<10112x128xf32, #tpu.memory_space<vmem_shared>>)
      %add3A_55 = arith.constant 80 : i32
      %add3A_56 = arith.addi %mul3A_14, %add3A_55 : i32
      "tpu.region"() ({
        %run_scoped3A = tpu.sem_alloc : memref<!tpu.dma_semaphore, #tpu.memory_space<semaphore_mem>>
        %dma_start3A_77 = arith.constant 0 : i32
        %dma_start3A_78 = arith.constant 0 : i32
        %dma_start3A_79 = tpu.memref_slice %arg7[%dma_start3A_77, %dma_start3A_78] : memref<40x128xi32, #tpu.memory_space<vmem>> -> memref<40x128xi32, #tpu.memory_space<vmem>>
        %dma_start3A_80 = arith.constant 0 : i32
        %dma_start3A_81 = tpu.memref_slice %arg3[%add3A_56, %dma_start3A_80] : memref<2560x128xi32, #tpu.memory_space<hbm>> -> memref<40x128xi32, #tpu.memory_space<hbm>>
        %dma_start3A_82 = arith.constant 0 : i32
        %dma_start3A_83 = arith.constant 0 : i32
        %dma_start3A_84 = tpu.memref_slice %arg7[%dma_start3A_82, %dma_start3A_83] : memref<40x128xi32, #tpu.memory_space<vmem>> -> memref<40x128xi32, #tpu.memory_space<vmem>>
        %dma_start3A_85 = arith.constant 0 : i32
        %dma_start3A_86 = tpu.memref_slice %arg3[%add3A_56, %dma_start3A_85] : memref<2560x128xi32, #tpu.memory_space<hbm>> -> memref<40x128xi32, #tpu.memory_space<hbm>>
        tpu.enqueue_dma source(%dma_start3A_86 : memref<40x128xi32, #tpu.memory_space<hbm>>) target(%dma_start3A_84 : memref<40x128xi32, #tpu.memory_space<vmem>>) target_semaphore(%run_scoped3A : memref<!tpu.dma_semaphore, #tpu.memory_space<semaphore_mem>>)
        %dma_wait3A_87 = arith.constant 0 : i32
        %dma_wait3A_88 = arith.constant 0 : i32
        %dma_wait3A_89 = tpu.memref_slice %arg7[%dma_wait3A_87, %dma_wait3A_88] : memref<40x128xi32, #tpu.memory_space<vmem>> -> memref<40x128xi32, #tpu.memory_space<vmem>>
        %dma_wait3A_90 = arith.constant 0 : i32
        %dma_wait3A_91 = tpu.memref_slice %arg3[%add3A_56, %dma_wait3A_90] : memref<2560x128xi32, #tpu.memory_space<hbm>> -> memref<40x128xi32, #tpu.memory_space<hbm>>
        %dma_wait3A_92 = arith.constant 0 : i32
        %dma_wait3A_93 = arith.constant 0 : i32
        %dma_wait3A_94 = tpu.memref_slice %arg7[%dma_wait3A_92, %dma_wait3A_93] : memref<40x128xi32, #tpu.memory_space<vmem>> -> memref<40x128xi32, #tpu.memory_space<vmem>>
        %dma_wait3A_95 = arith.constant 0 : i32
        %dma_wait3A_96 = tpu.memref_slice %arg3[%add3A_56, %dma_wait3A_95] : memref<2560x128xi32, #tpu.memory_space<hbm>> -> memref<40x128xi32, #tpu.memory_space<hbm>>
        tpu.wait_dma2 semaphore(%run_scoped3A : memref<!tpu.dma_semaphore, #tpu.memory_space<semaphore_mem>>) src(%dma_wait3A_96 : memref<40x128xi32, #tpu.memory_space<hbm>>) dst(%dma_wait3A_94 : memref<40x128xi32, #tpu.memory_space<vmem>>)
        tpu.yield
      }) : () -> ()
      "tpu.region"() ({
        %run_scoped3A = tpu.sem_alloc : memref<!tpu.dma_semaphore, #tpu.memory_space<semaphore_mem>>
        %dma_start3A_77 = arith.constant 0 : i32
        %dma_start3A_78 = arith.constant 0 : i32
        %dma_start3A_79 = tpu.memref_slice %arg8[%dma_start3A_77, %dma_start3A_78] : memref<40x128xi32, #tpu.memory_space<vmem>> -> memref<40x128xi32, #tpu.memory_space<vmem>>
        %dma_start3A_80 = arith.constant 0 : i32
        %dma_start3A_81 = tpu.memref_slice %arg4[%add3A_56, %dma_start3A_80] : memref<2560x128xi32, #tpu.memory_space<hbm>> -> memref<40x128xi32, #tpu.memory_space<hbm>>
        %dma_start3A_82 = arith.constant 0 : i32
        %dma_start3A_83 = arith.constant 0 : i32
        %dma_start3A_84 = tpu.memref_slice %arg8[%dma_start3A_82, %dma_start3A_83] : memref<40x128xi32, #tpu.memory_space<vmem>> -> memref<40x128xi32, #tpu.memory_space<vmem>>
        %dma_start3A_85 = arith.constant 0 : i32
        %dma_start3A_86 = tpu.memref_slice %arg4[%add3A_56, %dma_start3A_85] : memref<2560x128xi32, #tpu.memory_space<hbm>> -> memref<40x128xi32, #tpu.memory_space<hbm>>
        tpu.enqueue_dma source(%dma_start3A_86 : memref<40x128xi32, #tpu.memory_space<hbm>>) target(%dma_start3A_84 : memref<40x128xi32, #tpu.memory_space<vmem>>) target_semaphore(%run_scoped3A : memref<!tpu.dma_semaphore, #tpu.memory_space<semaphore_mem>>)
        %dma_wait3A_87 = arith.constant 0 : i32
        %dma_wait3A_88 = arith.constant 0 : i32
        %dma_wait3A_89 = tpu.memref_slice %arg8[%dma_wait3A_87, %dma_wait3A_88] : memref<40x128xi32, #tpu.memory_space<vmem>> -> memref<40x128xi32, #tpu.memory_space<vmem>>
        %dma_wait3A_90 = arith.constant 0 : i32
        %dma_wait3A_91 = tpu.memref_slice %arg4[%add3A_56, %dma_wait3A_90] : memref<2560x128xi32, #tpu.memory_space<hbm>> -> memref<40x128xi32, #tpu.memory_space<hbm>>
        %dma_wait3A_92 = arith.constant 0 : i32
        %dma_wait3A_93 = arith.constant 0 : i32
        %dma_wait3A_94 = tpu.memref_slice %arg8[%dma_wait3A_92, %dma_wait3A_93] : memref<40x128xi32, #tpu.memory_space<vmem>> -> memref<40x128xi32, #tpu.memory_space<vmem>>
        %dma_wait3A_95 = arith.constant 0 : i32
        %dma_wait3A_96 = tpu.memref_slice %arg4[%add3A_56, %dma_wait3A_95] : memref<2560x128xi32, #tpu.memory_space<hbm>> -> memref<40x128xi32, #tpu.memory_space<hbm>>
        tpu.wait_dma2 semaphore(%run_scoped3A : memref<!tpu.dma_semaphore, #tpu.memory_space<semaphore_mem>>) src(%dma_wait3A_96 : memref<40x128xi32, #tpu.memory_space<hbm>>) dst(%dma_wait3A_94 : memref<40x128xi32, #tpu.memory_space<vmem>>)
        tpu.yield
      }) : () -> ()
      %dma_start3A_57 = arith.constant 0 : i32
      %dma_start3A_58 = arith.constant 0 : i32
      %dma_start3A_59 = tpu.memref_slice %arg7[%dma_start3A_57, %dma_start3A_58] : memref<40x128xi32, #tpu.memory_space<vmem>> -> memref<1x128xi32, #tpu.memory_space<vmem>>
      %dma_start3A_60 = tpu.memref_squeeze %dma_start3A_59 : memref<1x128xi32, #tpu.memory_space<vmem>> -> memref<128xi32, #tpu.memory_space<vmem>>
      %dma_start3A_61 = arith.constant 0 : i32
      %dma_start3A_62 = arith.constant 0 : i32
      %dma_start3A_63 = tpu.memref_slice %arg2[%dma_start3A_61, %dma_start3A_62] : memref<10112x128xf32, #tpu.memory_space<hbm>> -> memref<10112x128xf32, #tpu.memory_space<hbm>>
      tpu.enqueue_indirect_dma source(%dma_start3A_63 : memref<10112x128xf32, #tpu.memory_space<hbm>>) target(%arg9 : memref<128x128xf32, #tpu.memory_space<vmem>>) offsets(%dma_start3A_60 : memref<128xi32, #tpu.memory_space<vmem>>) semaphore(%arg12 : memref<!tpu.dma_semaphore, #tpu.memory_space<semaphore_mem>>)
      %scan3A_64 = arith.constant 0 : i32
      %scan3A_65 = arith.constant 0 : i32
      %scan3A_66 = arith.constant 20 : i32
      %scan3A_67 = arith.addi %scan3A_65, %scan3A_66 : i32
      %scan3A_68 = arith.constant 1 : i32
      scf.for %scan3A_77 = %scan3A_65 to %scan3A_67 step %scan3A_68  : i32 {
        %mul3A_78 = arith.constant 2 : i32
        %mul3A_79 = arith.muli %scan3A_77, %mul3A_78 : i32
        %dma_wait3A_80 = arith.constant 0 : i32
        %dma_wait3A_81 = tpu.memref_slice %arg7[%mul3A_79, %dma_wait3A_80] : memref<40x128xi32, #tpu.memory_space<vmem>> -> memref<1x128xi32, #tpu.memory_space<vmem>>
        %dma_wait3A_82 = tpu.memref_squeeze %dma_wait3A_81 : memref<1x128xi32, #tpu.memory_space<vmem>> -> memref<128xi32, #tpu.memory_space<vmem>>
        %dma_wait3A_83 = arith.constant 0 : i32
        %dma_wait3A_84 = arith.constant 0 : i32
        %dma_wait3A_85 = tpu.memref_slice %arg2[%dma_wait3A_83, %dma_wait3A_84] : memref<10112x128xf32, #tpu.memory_space<hbm>> -> memref<10112x128xf32, #tpu.memory_space<hbm>>
        tpu.wait_indirect_dma semaphore(%arg12 : memref<!tpu.dma_semaphore, #tpu.memory_space<semaphore_mem>>) src(%dma_wait3A_85 : memref<10112x128xf32, #tpu.memory_space<hbm>>) dst(%arg9 : memref<128x128xf32, #tpu.memory_space<vmem>>)
        %dma_start3A_86 = arith.constant 0 : i32
        %dma_start3A_87 = tpu.memref_slice %arg8[%mul3A_79, %dma_start3A_86] : memref<40x128xi32, #tpu.memory_space<vmem>> -> memref<1x128xi32, #tpu.memory_space<vmem>>
        %dma_start3A_88 = tpu.memref_squeeze %dma_start3A_87 : memref<1x128xi32, #tpu.memory_space<vmem>> -> memref<128xi32, #tpu.memory_space<vmem>>
        %dma_start3A_89 = arith.constant 0 : i32
        %dma_start3A_90 = arith.constant 0 : i32
        %dma_start3A_91 = tpu.memref_slice %arg11[%dma_start3A_89, %dma_start3A_90] : memref<10112x128xf32, #tpu.memory_space<vmem_shared>> -> memref<10112x128xf32, #tpu.memory_space<vmem_shared>>
        tpu.enqueue_indirect_dma source(%arg9 : memref<128x128xf32, #tpu.memory_space<vmem>>) target(%dma_start3A_91 : memref<10112x128xf32, #tpu.memory_space<vmem_shared>>) offsets(%dma_start3A_88 : memref<128xi32, #tpu.memory_space<vmem>>) semaphore(%arg14 : memref<!tpu.dma_semaphore, #tpu.memory_space<semaphore_mem>>) {add = true}
        %gt3A = arith.constant 0 : i32
        %gt3A_92 = arith.cmpi sgt, %scan3A_77, %gt3A : i32
        %convert_element_type3A_93 = arith.extui %gt3A_92 : i1 to i32
        %cond3A_94 = arith.constant 0 : i32
        %cond3A_95 = arith.cmpi ne, %convert_element_type3A_93, %cond3A_94 : i32
        scf.if %cond3A_95 {
          %sub3A = arith.constant 1 : i32
          %sub3A_130 = arith.subi %mul3A_79, %sub3A : i32
          %dma_wait3A_131 = arith.constant 0 : i32
          %dma_wait3A_132 = tpu.memref_slice %arg8[%sub3A_130, %dma_wait3A_131] : memref<40x128xi32, #tpu.memory_space<vmem>> -> memref<1x128xi32, #tpu.memory_space<vmem>>
          %dma_wait3A_133 = tpu.memref_squeeze %dma_wait3A_132 : memref<1x128xi32, #tpu.memory_space<vmem>> -> memref<128xi32, #tpu.memory_space<vmem>>
          %dma_wait3A_134 = arith.constant 0 : i32
          %dma_wait3A_135 = arith.constant 0 : i32
          %dma_wait3A_136 = tpu.memref_slice %arg11[%dma_wait3A_134, %dma_wait3A_135] : memref<10112x128xf32, #tpu.memory_space<vmem_shared>> -> memref<10112x128xf32, #tpu.memory_space<vmem_shared>>
          tpu.wait_indirect_dma semaphore(%arg15 : memref<!tpu.dma_semaphore, #tpu.memory_space<semaphore_mem>>) src(%arg10 : memref<128x128xf32, #tpu.memory_space<vmem>>) dst(%dma_wait3A_136 : memref<10112x128xf32, #tpu.memory_space<vmem_shared>>)
        } else {
        }
        %add3A_96 = arith.constant 1 : i32
        %add3A_97 = arith.addi %mul3A_79, %add3A_96 : i32
        %dma_start3A_98 = arith.constant 0 : i32
        %dma_start3A_99 = tpu.memref_slice %arg7[%add3A_97, %dma_start3A_98] : memref<40x128xi32, #tpu.memory_space<vmem>> -> memref<1x128xi32, #tpu.memory_space<vmem>>
        %dma_start3A_100 = tpu.memref_squeeze %dma_start3A_99 : memref<1x128xi32, #tpu.memory_space<vmem>> -> memref<128xi32, #tpu.memory_space<vmem>>
        %dma_start3A_101 = arith.constant 0 : i32
        %dma_start3A_102 = arith.constant 0 : i32
        %dma_start3A_103 = tpu.memref_slice %arg2[%dma_start3A_101, %dma_start3A_102] : memref<10112x128xf32, #tpu.memory_space<hbm>> -> memref<10112x128xf32, #tpu.memory_space<hbm>>
        tpu.enqueue_indirect_dma source(%dma_start3A_103 : memref<10112x128xf32, #tpu.memory_space<hbm>>) target(%arg10 : memref<128x128xf32, #tpu.memory_space<vmem>>) offsets(%dma_start3A_100 : memref<128xi32, #tpu.memory_space<vmem>>) semaphore(%arg13 : memref<!tpu.dma_semaphore, #tpu.memory_space<semaphore_mem>>)
        %dma_wait3A_104 = arith.constant 0 : i32
        %dma_wait3A_105 = tpu.memref_slice %arg8[%mul3A_79, %dma_wait3A_104] : memref<40x128xi32, #tpu.memory_space<vmem>> -> memref<1x128xi32, #tpu.memory_space<vmem>>
        %dma_wait3A_106 = tpu.memref_squeeze %dma_wait3A_105 : memref<1x128xi32, #tpu.memory_space<vmem>> -> memref<128xi32, #tpu.memory_space<vmem>>
        %dma_wait3A_107 = arith.constant 0 : i32
        %dma_wait3A_108 = arith.constant 0 : i32
        %dma_wait3A_109 = tpu.memref_slice %arg11[%dma_wait3A_107, %dma_wait3A_108] : memref<10112x128xf32, #tpu.memory_space<vmem_shared>> -> memref<10112x128xf32, #tpu.memory_space<vmem_shared>>
        tpu.wait_indirect_dma semaphore(%arg14 : memref<!tpu.dma_semaphore, #tpu.memory_space<semaphore_mem>>) src(%arg9 : memref<128x128xf32, #tpu.memory_space<vmem>>) dst(%dma_wait3A_109 : memref<10112x128xf32, #tpu.memory_space<vmem_shared>>)
        %lt3A = arith.constant 19 : i32
        %lt3A_110 = arith.cmpi slt, %scan3A_77, %lt3A : i32
        %convert_element_type3A_111 = arith.extui %lt3A_110 : i1 to i32
        %cond3A_112 = arith.constant 0 : i32
        %cond3A_113 = arith.cmpi ne, %convert_element_type3A_111, %cond3A_112 : i32
        scf.if %cond3A_113 {
          %add3A_130 = arith.constant 2 : i32
          %add3A_131 = arith.addi %mul3A_79, %add3A_130 : i32
          %dma_start3A_132 = arith.constant 0 : i32
          %dma_start3A_133 = tpu.memref_slice %arg7[%add3A_131, %dma_start3A_132] : memref<40x128xi32, #tpu.memory_space<vmem>> -> memref<1x128xi32, #tpu.memory_space<vmem>>
          %dma_start3A_134 = tpu.memref_squeeze %dma_start3A_133 : memref<1x128xi32, #tpu.memory_space<vmem>> -> memref<128xi32, #tpu.memory_space<vmem>>
          %dma_start3A_135 = arith.constant 0 : i32
          %dma_start3A_136 = arith.constant 0 : i32
          %dma_start3A_137 = tpu.memref_slice %arg2[%dma_start3A_135, %dma_start3A_136] : memref<10112x128xf32, #tpu.memory_space<hbm>> -> memref<10112x128xf32, #tpu.memory_space<hbm>>
          tpu.enqueue_indirect_dma source(%dma_start3A_137 : memref<10112x128xf32, #tpu.memory_space<hbm>>) target(%arg9 : memref<128x128xf32, #tpu.memory_space<vmem>>) offsets(%dma_start3A_134 : memref<128xi32, #tpu.memory_space<vmem>>) semaphore(%arg12 : memref<!tpu.dma_semaphore, #tpu.memory_space<semaphore_mem>>)
        } else {
        }
        %add3A_114 = arith.constant 1 : i32
        %add3A_115 = arith.addi %mul3A_79, %add3A_114 : i32
        %dma_wait3A_116 = arith.constant 0 : i32
        %dma_wait3A_117 = tpu.memref_slice %arg7[%add3A_115, %dma_wait3A_116] : memref<40x128xi32, #tpu.memory_space<vmem>> -> memref<1x128xi32, #tpu.memory_space<vmem>>
        %dma_wait3A_118 = tpu.memref_squeeze %dma_wait3A_117 : memref<1x128xi32, #tpu.memory_space<vmem>> -> memref<128xi32, #tpu.memory_space<vmem>>
        %dma_wait3A_119 = arith.constant 0 : i32
        %dma_wait3A_120 = arith.constant 0 : i32
        %dma_wait3A_121 = tpu.memref_slice %arg2[%dma_wait3A_119, %dma_wait3A_120] : memref<10112x128xf32, #tpu.memory_space<hbm>> -> memref<10112x128xf32, #tpu.memory_space<hbm>>
        tpu.wait_indirect_dma semaphore(%arg13 : memref<!tpu.dma_semaphore, #tpu.memory_space<semaphore_mem>>) src(%dma_wait3A_121 : memref<10112x128xf32, #tpu.memory_space<hbm>>) dst(%arg10 : memref<128x128xf32, #tpu.memory_space<vmem>>)
        %add3A_122 = arith.constant 1 : i32
        %add3A_123 = arith.addi %mul3A_79, %add3A_122 : i32
        %dma_start3A_124 = arith.constant 0 : i32
        %dma_start3A_125 = tpu.memref_slice %arg8[%add3A_123, %dma_start3A_124] : memref<40x128xi32, #tpu.memory_space<vmem>> -> memref<1x128xi32, #tpu.memory_space<vmem>>
        %dma_start3A_126 = tpu.memref_squeeze %dma_start3A_125 : memref<1x128xi32, #tpu.memory_space<vmem>> -> memref<128xi32, #tpu.memory_space<vmem>>
        %dma_start3A_127 = arith.constant 0 : i32
        %dma_start3A_128 = arith.constant 0 : i32
        %dma_start3A_129 = tpu.memref_slice %arg11[%dma_start3A_127, %dma_start3A_128] : memref<10112x128xf32, #tpu.memory_space<vmem_shared>> -> memref<10112x128xf32, #tpu.memory_space<vmem_shared>>
        tpu.enqueue_indirect_dma source(%arg10 : memref<128x128xf32, #tpu.memory_space<vmem>>) target(%dma_start3A_129 : memref<10112x128xf32, #tpu.memory_space<vmem_shared>>) offsets(%dma_start3A_126 : memref<128xi32, #tpu.memory_space<vmem>>) semaphore(%arg15 : memref<!tpu.dma_semaphore, #tpu.memory_space<semaphore_mem>>) {add = true}
      }
      %scan3A_69 = arith.constant 20 : i32
      %dma_wait3A_70 = arith.constant 39 : i32
      %dma_wait3A_71 = arith.constant 0 : i32
      %dma_wait3A_72 = tpu.memref_slice %arg8[%dma_wait3A_70, %dma_wait3A_71] : memref<40x128xi32, #tpu.memory_space<vmem>> -> memref<1x128xi32, #tpu.memory_space<vmem>>
      %dma_wait3A_73 = tpu.memref_squeeze %dma_wait3A_72 : memref<1x128xi32, #tpu.memory_space<vmem>> -> memref<128xi32, #tpu.memory_space<vmem>>
      %dma_wait3A_74 = arith.constant 0 : i32
      %dma_wait3A_75 = arith.constant 0 : i32
      %dma_wait3A_76 = tpu.memref_slice %arg11[%dma_wait3A_74, %dma_wait3A_75] : memref<10112x128xf32, #tpu.memory_space<vmem_shared>> -> memref<10112x128xf32, #tpu.memory_space<vmem_shared>>
      tpu.wait_indirect_dma semaphore(%arg15 : memref<!tpu.dma_semaphore, #tpu.memory_space<semaphore_mem>>) src(%arg10 : memref<128x128xf32, #tpu.memory_space<vmem>>) dst(%dma_wait3A_76 : memref<10112x128xf32, #tpu.memory_space<vmem_shared>>)
    } else {
    }
    %eq3A_3 = arith.constant 1 : i32
    %eq3A_4 = arith.cmpi eq, %arg0, %eq3A_3 : i32
    %convert_element_type3A_5 = arith.extui %eq3A_4 : i1 to i32
    %cond3A_6 = arith.constant 0 : i32
    %cond3A_7 = arith.cmpi ne, %convert_element_type3A_5, %cond3A_6 : i32
    scf.if %cond3A_7 {
      %mul3A_13 = arith.constant 40 : i32
      %mul3A_14 = arith.muli %arg1, %mul3A_13 : i32
      %add3A = arith.constant 1920 : i32
      %add3A_15 = arith.addi %add3A, %mul3A_14 : i32
      %add3A_16 = arith.constant 0 : i32
      %add3A_17 = arith.addi %add3A_15, %add3A_16 : i32
      "tpu.region"() ({
        %run_scoped3A = tpu.sem_alloc : memref<!tpu.dma_semaphore, #tpu.memory_space<semaphore_mem>>
        %dma_start3A_35 = arith.constant 0 : i32
        %dma_start3A_36 = arith.constant 0 : i32
        %dma_start3A_37 = tpu.memref_slice %arg7[%dma_start3A_35, %dma_start3A_36] : memref<40x128xi32, #tpu.memory_space<vmem>> -> memref<40x128xi32, #tpu.memory_space<vmem>>
        %dma_start3A_38 = arith.constant 0 : i32
        %dma_start3A_39 = tpu.memref_slice %arg3[%add3A_17, %dma_start3A_38] : memref<2560x128xi32, #tpu.memory_space<hbm>> -> memref<40x128xi32, #tpu.memory_space<hbm>>
        %dma_start3A_40 = arith.constant 0 : i32
        %dma_start3A_41 = arith.constant 0 : i32
        %dma_start3A_42 = tpu.memref_slice %arg7[%dma_start3A_40, %dma_start3A_41] : memref<40x128xi32, #tpu.memory_space<vmem>> -> memref<40x128xi32, #tpu.memory_space<vmem>>
        %dma_start3A_43 = arith.constant 0 : i32
        %dma_start3A_44 = tpu.memref_slice %arg3[%add3A_17, %dma_start3A_43] : memref<2560x128xi32, #tpu.memory_space<hbm>> -> memref<40x128xi32, #tpu.memory_space<hbm>>
        tpu.enqueue_dma source(%dma_start3A_44 : memref<40x128xi32, #tpu.memory_space<hbm>>) target(%dma_start3A_42 : memref<40x128xi32, #tpu.memory_space<vmem>>) target_semaphore(%run_scoped3A : memref<!tpu.dma_semaphore, #tpu.memory_space<semaphore_mem>>)
        %dma_wait3A_45 = arith.constant 0 : i32
        %dma_wait3A_46 = arith.constant 0 : i32
        %dma_wait3A_47 = tpu.memref_slice %arg7[%dma_wait3A_45, %dma_wait3A_46] : memref<40x128xi32, #tpu.memory_space<vmem>> -> memref<40x128xi32, #tpu.memory_space<vmem>>
        %dma_wait3A_48 = arith.constant 0 : i32
        %dma_wait3A_49 = tpu.memref_slice %arg3[%add3A_17, %dma_wait3A_48] : memref<2560x128xi32, #tpu.memory_space<hbm>> -> memref<40x128xi32, #tpu.memory_space<hbm>>
        %dma_wait3A_50 = arith.constant 0 : i32
        %dma_wait3A_51 = arith.constant 0 : i32
        %dma_wait3A_52 = tpu.memref_slice %arg7[%dma_wait3A_50, %dma_wait3A_51] : memref<40x128xi32, #tpu.memory_space<vmem>> -> memref<40x128xi32, #tpu.memory_space<vmem>>
        %dma_wait3A_53 = arith.constant 0 : i32
        %dma_wait3A_54 = tpu.memref_slice %arg3[%add3A_17, %dma_wait3A_53] : memref<2560x128xi32, #tpu.memory_space<hbm>> -> memref<40x128xi32, #tpu.memory_space<hbm>>
        tpu.wait_dma2 semaphore(%run_scoped3A : memref<!tpu.dma_semaphore, #tpu.memory_space<semaphore_mem>>) src(%dma_wait3A_54 : memref<40x128xi32, #tpu.memory_space<hbm>>) dst(%dma_wait3A_52 : memref<40x128xi32, #tpu.memory_space<vmem>>)
        tpu.yield
      }) : () -> ()
      "tpu.region"() ({
        %run_scoped3A = tpu.sem_alloc : memref<!tpu.dma_semaphore, #tpu.memory_space<semaphore_mem>>
        %dma_start3A_35 = arith.constant 0 : i32
        %dma_start3A_36 = arith.constant 0 : i32
        %dma_start3A_37 = tpu.memref_slice %arg8[%dma_start3A_35, %dma_start3A_36] : memref<40x128xi32, #tpu.memory_space<vmem>> -> memref<40x128xi32, #tpu.memory_space<vmem>>
        %dma_start3A_38 = arith.constant 0 : i32
        %dma_start3A_39 = tpu.memref_slice %arg4[%add3A_17, %dma_start3A_38] : memref<2560x128xi32, #tpu.memory_space<hbm>> -> memref<40x128xi32, #tpu.memory_space<hbm>>
        %dma_start3A_40 = arith.constant 0 : i32
        %dma_start3A_41 = arith.constant 0 : i32
        %dma_start3A_42 = tpu.memref_slice %arg8[%dma_start3A_40, %dma_start3A_41] : memref<40x128xi32, #tpu.memory_space<vmem>> -> memref<40x128xi32, #tpu.memory_space<vmem>>
        %dma_start3A_43 = arith.constant 0 : i32
        %dma_start3A_44 = tpu.memref_slice %arg4[%add3A_17, %dma_start3A_43] : memref<2560x128xi32, #tpu.memory_space<hbm>> -> memref<40x128xi32, #tpu.memory_space<hbm>>
        tpu.enqueue_dma source(%dma_start3A_44 : memref<40x128xi32, #tpu.memory_space<hbm>>) target(%dma_start3A_42 : memref<40x128xi32, #tpu.memory_space<vmem>>) target_semaphore(%run_scoped3A : memref<!tpu.dma_semaphore, #tpu.memory_space<semaphore_mem>>)
        %dma_wait3A_45 = arith.constant 0 : i32
        %dma_wait3A_46 = arith.constant 0 : i32
        %dma_wait3A_47 = tpu.memref_slice %arg8[%dma_wait3A_45, %dma_wait3A_46] : memref<40x128xi32, #tpu.memory_space<vmem>> -> memref<40x128xi32, #tpu.memory_space<vmem>>
        %dma_wait3A_48 = arith.constant 0 : i32
        %dma_wait3A_49 = tpu.memref_slice %arg4[%add3A_17, %dma_wait3A_48] : memref<2560x128xi32, #tpu.memory_space<hbm>> -> memref<40x128xi32, #tpu.memory_space<hbm>>
        %dma_wait3A_50 = arith.constant 0 : i32
        %dma_wait3A_51 = arith.constant 0 : i32
        %dma_wait3A_52 = tpu.memref_slice %arg8[%dma_wait3A_50, %dma_wait3A_51] : memref<40x128xi32, #tpu.memory_space<vmem>> -> memref<40x128xi32, #tpu.memory_space<vmem>>
        %dma_wait3A_53 = arith.constant 0 : i32
        %dma_wait3A_54 = tpu.memref_slice %arg4[%add3A_17, %dma_wait3A_53] : memref<2560x128xi32, #tpu.memory_space<hbm>> -> memref<40x128xi32, #tpu.memory_space<hbm>>
        tpu.wait_dma2 semaphore(%run_scoped3A : memref<!tpu.dma_semaphore, #tpu.memory_space<semaphore_mem>>) src(%dma_wait3A_54 : memref<40x128xi32, #tpu.memory_space<hbm>>) dst(%dma_wait3A_52 : memref<40x128xi32, #tpu.memory_space<vmem>>)
        tpu.yield
      }) : () -> ()
      %dma_start3A = arith.constant 0 : i32
      %dma_start3A_18 = arith.constant 0 : i32
      %dma_start3A_19 = tpu.memref_slice %arg7[%dma_start3A, %dma_start3A_18] : memref<40x128xi32, #tpu.memory_space<vmem>> -> memref<1x128xi32, #tpu.memory_space<vmem>>
      %dma_start3A_20 = tpu.memref_squeeze %dma_start3A_19 : memref<1x128xi32, #tpu.memory_space<vmem>> -> memref<128xi32, #tpu.memory_space<vmem>>
      %dma_start3A_21 = arith.constant 0 : i32
      %dma_start3A_22 = arith.constant 0 : i32
      %dma_start3A_23 = tpu.memref_slice %arg2[%dma_start3A_21, %dma_start3A_22] : memref<10112x128xf32, #tpu.memory_space<hbm>> -> memref<10112x128xf32, #tpu.memory_space<hbm>>
      tpu.enqueue_indirect_dma source(%dma_start3A_23 : memref<10112x128xf32, #tpu.memory_space<hbm>>) target(%arg9 : memref<128x128xf32, #tpu.memory_space<vmem>>) offsets(%dma_start3A_20 : memref<128xi32, #tpu.memory_space<vmem>>) semaphore(%arg12 : memref<!tpu.dma_semaphore, #tpu.memory_space<semaphore_mem>>)
      %scan3A = arith.constant 0 : i32
      %scan3A_24 = arith.constant 0 : i32
      %scan3A_25 = arith.constant 20 : i32
      %scan3A_26 = arith.addi %scan3A_24, %scan3A_25 : i32
      %scan3A_27 = arith.constant 1 : i32
      scf.for %scan3A_35 = %scan3A_24 to %scan3A_26 step %scan3A_27  : i32 {
        %mul3A_36 = arith.constant 2 : i32
        %mul3A_37 = arith.muli %scan3A_35, %mul3A_36 : i32
        %dma_wait3A_38 = arith.constant 0 : i32
        %dma_wait3A_39 = tpu.memref_slice %arg7[%mul3A_37, %dma_wait3A_38] : memref<40x128xi32, #tpu.memory_space<vmem>> -> memref<1x128xi32, #tpu.memory_space<vmem>>
        %dma_wait3A_40 = tpu.memref_squeeze %dma_wait3A_39 : memref<1x128xi32, #tpu.memory_space<vmem>> -> memref<128xi32, #tpu.memory_space<vmem>>
        %dma_wait3A_41 = arith.constant 0 : i32
        %dma_wait3A_42 = arith.constant 0 : i32
        %dma_wait3A_43 = tpu.memref_slice %arg2[%dma_wait3A_41, %dma_wait3A_42] : memref<10112x128xf32, #tpu.memory_space<hbm>> -> memref<10112x128xf32, #tpu.memory_space<hbm>>
        tpu.wait_indirect_dma semaphore(%arg12 : memref<!tpu.dma_semaphore, #tpu.memory_space<semaphore_mem>>) src(%dma_wait3A_43 : memref<10112x128xf32, #tpu.memory_space<hbm>>) dst(%arg9 : memref<128x128xf32, #tpu.memory_space<vmem>>)
        %dma_start3A_44 = arith.constant 0 : i32
        %dma_start3A_45 = tpu.memref_slice %arg8[%mul3A_37, %dma_start3A_44] : memref<40x128xi32, #tpu.memory_space<vmem>> -> memref<1x128xi32, #tpu.memory_space<vmem>>
        %dma_start3A_46 = tpu.memref_squeeze %dma_start3A_45 : memref<1x128xi32, #tpu.memory_space<vmem>> -> memref<128xi32, #tpu.memory_space<vmem>>
        %dma_start3A_47 = arith.constant 0 : i32
        %dma_start3A_48 = arith.constant 0 : i32
        %dma_start3A_49 = tpu.memref_slice %arg11[%dma_start3A_47, %dma_start3A_48] : memref<10112x128xf32, #tpu.memory_space<vmem_shared>> -> memref<10112x128xf32, #tpu.memory_space<vmem_shared>>
        tpu.enqueue_indirect_dma source(%arg9 : memref<128x128xf32, #tpu.memory_space<vmem>>) target(%dma_start3A_49 : memref<10112x128xf32, #tpu.memory_space<vmem_shared>>) offsets(%dma_start3A_46 : memref<128xi32, #tpu.memory_space<vmem>>) semaphore(%arg14 : memref<!tpu.dma_semaphore, #tpu.memory_space<semaphore_mem>>) {add = true}
        %gt3A = arith.constant 0 : i32
        %gt3A_50 = arith.cmpi sgt, %scan3A_35, %gt3A : i32
        %convert_element_type3A_51 = arith.extui %gt3A_50 : i1 to i32
        %cond3A_52 = arith.constant 0 : i32
        %cond3A_53 = arith.cmpi ne, %convert_element_type3A_51, %cond3A_52 : i32
        scf.if %cond3A_53 {
          %sub3A = arith.constant 1 : i32
          %sub3A_88 = arith.subi %mul3A_37, %sub3A : i32
          %dma_wait3A_89 = arith.constant 0 : i32
          %dma_wait3A_90 = tpu.memref_slice %arg8[%sub3A_88, %dma_wait3A_89] : memref<40x128xi32, #tpu.memory_space<vmem>> -> memref<1x128xi32, #tpu.memory_space<vmem>>
          %dma_wait3A_91 = tpu.memref_squeeze %dma_wait3A_90 : memref<1x128xi32, #tpu.memory_space<vmem>> -> memref<128xi32, #tpu.memory_space<vmem>>
          %dma_wait3A_92 = arith.constant 0 : i32
          %dma_wait3A_93 = arith.constant 0 : i32
          %dma_wait3A_94 = tpu.memref_slice %arg11[%dma_wait3A_92, %dma_wait3A_93] : memref<10112x128xf32, #tpu.memory_space<vmem_shared>> -> memref<10112x128xf32, #tpu.memory_space<vmem_shared>>
          tpu.wait_indirect_dma semaphore(%arg15 : memref<!tpu.dma_semaphore, #tpu.memory_space<semaphore_mem>>) src(%arg10 : memref<128x128xf32, #tpu.memory_space<vmem>>) dst(%dma_wait3A_94 : memref<10112x128xf32, #tpu.memory_space<vmem_shared>>)
        } else {
        }
        %add3A_54 = arith.constant 1 : i32
        %add3A_55 = arith.addi %mul3A_37, %add3A_54 : i32
        %dma_start3A_56 = arith.constant 0 : i32
        %dma_start3A_57 = tpu.memref_slice %arg7[%add3A_55, %dma_start3A_56] : memref<40x128xi32, #tpu.memory_space<vmem>> -> memref<1x128xi32, #tpu.memory_space<vmem>>
        %dma_start3A_58 = tpu.memref_squeeze %dma_start3A_57 : memref<1x128xi32, #tpu.memory_space<vmem>> -> memref<128xi32, #tpu.memory_space<vmem>>
        %dma_start3A_59 = arith.constant 0 : i32
        %dma_start3A_60 = arith.constant 0 : i32
        %dma_start3A_61 = tpu.memref_slice %arg2[%dma_start3A_59, %dma_start3A_60] : memref<10112x128xf32, #tpu.memory_space<hbm>> -> memref<10112x128xf32, #tpu.memory_space<hbm>>
        tpu.enqueue_indirect_dma source(%dma_start3A_61 : memref<10112x128xf32, #tpu.memory_space<hbm>>) target(%arg10 : memref<128x128xf32, #tpu.memory_space<vmem>>) offsets(%dma_start3A_58 : memref<128xi32, #tpu.memory_space<vmem>>) semaphore(%arg13 : memref<!tpu.dma_semaphore, #tpu.memory_space<semaphore_mem>>)
        %dma_wait3A_62 = arith.constant 0 : i32
        %dma_wait3A_63 = tpu.memref_slice %arg8[%mul3A_37, %dma_wait3A_62] : memref<40x128xi32, #tpu.memory_space<vmem>> -> memref<1x128xi32, #tpu.memory_space<vmem>>
        %dma_wait3A_64 = tpu.memref_squeeze %dma_wait3A_63 : memref<1x128xi32, #tpu.memory_space<vmem>> -> memref<128xi32, #tpu.memory_space<vmem>>
        %dma_wait3A_65 = arith.constant 0 : i32
        %dma_wait3A_66 = arith.constant 0 : i32
        %dma_wait3A_67 = tpu.memref_slice %arg11[%dma_wait3A_65, %dma_wait3A_66] : memref<10112x128xf32, #tpu.memory_space<vmem_shared>> -> memref<10112x128xf32, #tpu.memory_space<vmem_shared>>
        tpu.wait_indirect_dma semaphore(%arg14 : memref<!tpu.dma_semaphore, #tpu.memory_space<semaphore_mem>>) src(%arg9 : memref<128x128xf32, #tpu.memory_space<vmem>>) dst(%dma_wait3A_67 : memref<10112x128xf32, #tpu.memory_space<vmem_shared>>)
        %lt3A = arith.constant 19 : i32
        %lt3A_68 = arith.cmpi slt, %scan3A_35, %lt3A : i32
        %convert_element_type3A_69 = arith.extui %lt3A_68 : i1 to i32
        %cond3A_70 = arith.constant 0 : i32
        %cond3A_71 = arith.cmpi ne, %convert_element_type3A_69, %cond3A_70 : i32
        scf.if %cond3A_71 {
          %add3A_88 = arith.constant 2 : i32
          %add3A_89 = arith.addi %mul3A_37, %add3A_88 : i32
          %dma_start3A_90 = arith.constant 0 : i32
          %dma_start3A_91 = tpu.memref_slice %arg7[%add3A_89, %dma_start3A_90] : memref<40x128xi32, #tpu.memory_space<vmem>> -> memref<1x128xi32, #tpu.memory_space<vmem>>
          %dma_start3A_92 = tpu.memref_squeeze %dma_start3A_91 : memref<1x128xi32, #tpu.memory_space<vmem>> -> memref<128xi32, #tpu.memory_space<vmem>>
          %dma_start3A_93 = arith.constant 0 : i32
          %dma_start3A_94 = arith.constant 0 : i32
          %dma_start3A_95 = tpu.memref_slice %arg2[%dma_start3A_93, %dma_start3A_94] : memref<10112x128xf32, #tpu.memory_space<hbm>> -> memref<10112x128xf32, #tpu.memory_space<hbm>>
          tpu.enqueue_indirect_dma source(%dma_start3A_95 : memref<10112x128xf32, #tpu.memory_space<hbm>>) target(%arg9 : memref<128x128xf32, #tpu.memory_space<vmem>>) offsets(%dma_start3A_92 : memref<128xi32, #tpu.memory_space<vmem>>) semaphore(%arg12 : memref<!tpu.dma_semaphore, #tpu.memory_space<semaphore_mem>>)
        } else {
        }
        %add3A_72 = arith.constant 1 : i32
        %add3A_73 = arith.addi %mul3A_37, %add3A_72 : i32
        %dma_wait3A_74 = arith.constant 0 : i32
        %dma_wait3A_75 = tpu.memref_slice %arg7[%add3A_73, %dma_wait3A_74] : memref<40x128xi32, #tpu.memory_space<vmem>> -> memref<1x128xi32, #tpu.memory_space<vmem>>
        %dma_wait3A_76 = tpu.memref_squeeze %dma_wait3A_75 : memref<1x128xi32, #tpu.memory_space<vmem>> -> memref<128xi32, #tpu.memory_space<vmem>>
        %dma_wait3A_77 = arith.constant 0 : i32
        %dma_wait3A_78 = arith.constant 0 : i32
        %dma_wait3A_79 = tpu.memref_slice %arg2[%dma_wait3A_77, %dma_wait3A_78] : memref<10112x128xf32, #tpu.memory_space<hbm>> -> memref<10112x128xf32, #tpu.memory_space<hbm>>
        tpu.wait_indirect_dma semaphore(%arg13 : memref<!tpu.dma_semaphore, #tpu.memory_space<semaphore_mem>>) src(%dma_wait3A_79 : memref<10112x128xf32, #tpu.memory_space<hbm>>) dst(%arg10 : memref<128x128xf32, #tpu.memory_space<vmem>>)
        %add3A_80 = arith.constant 1 : i32
        %add3A_81 = arith.addi %mul3A_37, %add3A_80 : i32
        %dma_start3A_82 = arith.constant 0 : i32
        %dma_start3A_83 = tpu.memref_slice %arg8[%add3A_81, %dma_start3A_82] : memref<40x128xi32, #tpu.memory_space<vmem>> -> memref<1x128xi32, #tpu.memory_space<vmem>>
        %dma_start3A_84 = tpu.memref_squeeze %dma_start3A_83 : memref<1x128xi32, #tpu.memory_space<vmem>> -> memref<128xi32, #tpu.memory_space<vmem>>
        %dma_start3A_85 = arith.constant 0 : i32
        %dma_start3A_86 = arith.constant 0 : i32
        %dma_start3A_87 = tpu.memref_slice %arg11[%dma_start3A_85, %dma_start3A_86] : memref<10112x128xf32, #tpu.memory_space<vmem_shared>> -> memref<10112x128xf32, #tpu.memory_space<vmem_shared>>
        tpu.enqueue_indirect_dma source(%arg10 : memref<128x128xf32, #tpu.memory_space<vmem>>) target(%dma_start3A_87 : memref<10112x128xf32, #tpu.memory_space<vmem_shared>>) offsets(%dma_start3A_84 : memref<128xi32, #tpu.memory_space<vmem>>) semaphore(%arg15 : memref<!tpu.dma_semaphore, #tpu.memory_space<semaphore_mem>>) {add = true}
      }
      %scan3A_28 = arith.constant 20 : i32
      %dma_wait3A = arith.constant 39 : i32
      %dma_wait3A_29 = arith.constant 0 : i32
      %dma_wait3A_30 = tpu.memref_slice %arg8[%dma_wait3A, %dma_wait3A_29] : memref<40x128xi32, #tpu.memory_space<vmem>> -> memref<1x128xi32, #tpu.memory_space<vmem>>
      %dma_wait3A_31 = tpu.memref_squeeze %dma_wait3A_30 : memref<1x128xi32, #tpu.memory_space<vmem>> -> memref<128xi32, #tpu.memory_space<vmem>>
      %dma_wait3A_32 = arith.constant 0 : i32
      %dma_wait3A_33 = arith.constant 0 : i32
      %dma_wait3A_34 = tpu.memref_slice %arg11[%dma_wait3A_32, %dma_wait3A_33] : memref<10112x128xf32, #tpu.memory_space<vmem_shared>> -> memref<10112x128xf32, #tpu.memory_space<vmem_shared>>
      tpu.wait_indirect_dma semaphore(%arg15 : memref<!tpu.dma_semaphore, #tpu.memory_space<semaphore_mem>>) src(%arg10 : memref<128x128xf32, #tpu.memory_space<vmem>>) dst(%dma_wait3A_34 : memref<10112x128xf32, #tpu.memory_space<vmem_shared>>)
    } else {
    }
    %barrier3A_8 = arith.constant 0 : index
    tpu.barrier barrier_id(%barrier3A_8)
    %mul3A_9 = arith.constant 632 : i32
    %mul3A_10 = arith.muli %arg1, %mul3A_9 : i32
    %mul3A_11 = arith.constant 632 : i32
    %mul3A_12 = arith.muli %arg1, %mul3A_11 : i32
    "tpu.region"() ({
      %run_scoped3A = tpu.sem_alloc : memref<!tpu.dma_semaphore, #tpu.memory_space<semaphore_mem>>
      %dma_start3A = arith.constant 0 : i32
      %dma_start3A_13 = tpu.memref_slice %arg6[%arg0, %mul3A_12, %dma_start3A] : memref<2x10112x128xf32, #tpu.memory_space<hbm>> -> memref<1x632x128xf32, #tpu.memory_space<hbm>>
      %dma_start3A_14 = tpu.memref_squeeze %dma_start3A_13 : memref<1x632x128xf32, #tpu.memory_space<hbm>> -> memref<632x128xf32, #tpu.memory_space<hbm>>
      %dma_start3A_15 = arith.constant 0 : i32
      %dma_start3A_16 = tpu.memref_slice %arg11[%mul3A_10, %dma_start3A_15] : memref<10112x128xf32, #tpu.memory_space<vmem_shared>> -> memref<632x128xf32, #tpu.memory_space<vmem_shared>>
      tpu.enqueue_dma source(%dma_start3A_16 : memref<632x128xf32, #tpu.memory_space<vmem_shared>>) target(%dma_start3A_14 : memref<632x128xf32, #tpu.memory_space<hbm>>) target_semaphore(%run_scoped3A : memref<!tpu.dma_semaphore, #tpu.memory_space<semaphore_mem>>)
      %dma_wait3A = arith.constant 0 : i32
      %dma_wait3A_17 = tpu.memref_slice %arg6[%arg0, %mul3A_12, %dma_wait3A] : memref<2x10112x128xf32, #tpu.memory_space<hbm>> -> memref<1x632x128xf32, #tpu.memory_space<hbm>>
      %dma_wait3A_18 = tpu.memref_squeeze %dma_wait3A_17 : memref<1x632x128xf32, #tpu.memory_space<hbm>> -> memref<632x128xf32, #tpu.memory_space<hbm>>
      %dma_wait3A_19 = arith.constant 0 : i32
      %dma_wait3A_20 = tpu.memref_slice %arg11[%mul3A_10, %dma_wait3A_19] : memref<10112x128xf32, #tpu.memory_space<vmem_shared>> -> memref<632x128xf32, #tpu.memory_space<vmem_shared>>
      tpu.wait_dma2 semaphore(%run_scoped3A : memref<!tpu.dma_semaphore, #tpu.memory_space<semaphore_mem>>) src(%dma_wait3A_20 : memref<632x128xf32, #tpu.memory_space<vmem_shared>>) dst(%dma_wait3A_18 : memref<632x128xf32, #tpu.memory_space<hbm>>)
      tpu.yield
    }) : () -> ()
    return
  }
}

module attributes {stable_mosaic.version = 14 : i64} {
  func.func @_prep_body(%arg0: memref<32x10112xf32, #tpu.memory_space<vmem>>, %arg1: memref<10112x128xf32, #tpu.memory_space<vmem>>, %arg2: memref<10112x128xf32, #tpu.memory_space<vmem>>, %arg3: memref<10112xf32, #tpu.memory_space<vmem>>) attributes {dimension_semantics = [], scalar_prefetch = 0 : i64, scratch_operands = 0 : i64, tpu.core_type = #tpu.core_type<tc>} {
    %get3A = arith.constant 0 : index
    %get3A_0 = arith.constant 0 : index
    %get3A_1 = vector.load %arg0[%get3A, %get3A_0] : memref<32x10112xf32, #tpu.memory_space<vmem>>, vector<32x10112xf32>
    %reduce_sum3A = arith.constant dense<0.000000e+00> : vector<10112xf32>
    %reduce_sum3A_2 = vector.multi_reduction <add>, %get3A_1, %reduce_sum3A [0] : vector<32x10112xf32> to vector<10112xf32>
    %add3A = arith.constant 1.000000e+00 : f32
    %add3A_3 = vector.broadcast %add3A : f32 to vector<10112xf32>
    %add3A_4 = arith.addf %reduce_sum3A_2, %add3A_3 : vector<10112xf32>
    %max3A = arith.constant 9.99999996E-13 : f32
    %max3A_5 = vector.broadcast %max3A : f32 to vector<10112xf32>
    %max3A_6 = arith.maximumf %add3A_4, %max3A_5 : vector<10112xf32>
    %rsqrt3A = math.rsqrt %max3A_6 : vector<10112xf32>
    %get3A_7 = arith.constant 0 : index
    %get3A_8 = arith.constant 0 : index
    %get3A_9 = vector.load %arg1[%get3A_7, %get3A_8] : memref<10112x128xf32, #tpu.memory_space<vmem>>, vector<10112x128xf32>
    %broadcast_in_dim3A = vector.shape_cast %rsqrt3A : vector<10112xf32> to vector<10112x1xf32>
    %mul3A = vector.broadcast %broadcast_in_dim3A : vector<10112x1xf32> to vector<10112x128xf32>
    %mul3A_10 = arith.mulf %get3A_9, %mul3A : vector<10112x128xf32>
    %swap3A = arith.constant 0 : index
    %swap3A_11 = arith.constant 0 : index
    %swap3A_12 = vector.load %arg2[%swap3A, %swap3A_11] : memref<10112x128xf32, #tpu.memory_space<vmem>>, vector<10112x128xf32>
    tpu.vector_store %arg2[%swap3A, %swap3A_11], %mul3A_10 {strides = array<i32>} : memref<10112x128xf32, #tpu.memory_space<vmem>>, vector<10112x128xf32>,
    %swap3A_13 = arith.constant 0 : index
    %swap3A_14 = vector.load %arg3[%swap3A_13] : memref<10112xf32, #tpu.memory_space<vmem>>, vector<10112xf32>
    tpu.vector_store %arg3[%swap3A_13], %rsqrt3A {strides = array<i32>} : memref<10112xf32, #tpu.memory_space<vmem>>, vector<10112xf32>,
    return
  }
}

module attributes {stable_mosaic.version = 14 : i64} {
  func.func @_dense_body(%arg0: memref<2x10112x128xf32, #tpu.memory_space<vmem>>, %arg1: memref<10112x128xf32, #tpu.memory_space<vmem>>, %arg2: memref<10112xf32, #tpu.memory_space<vmem>>, %arg3: memref<128x128xf32, #tpu.memory_space<vmem>>, %arg4: memref<128x128xf32, #tpu.memory_space<vmem>>, %arg5: memref<128xf32, #tpu.memory_space<vmem>>, %arg6: memref<128xf32, #tpu.memory_space<vmem>>, %arg7: memref<10112x128xf32, #tpu.memory_space<vmem>>, %arg8: memref<10112x128xf32, #tpu.memory_space<vmem>>, %arg9: memref<4x128xf32, #tpu.memory_space<vmem>>) attributes {dimension_semantics = [], scalar_prefetch = 0 : i64, scratch_operands = 0 : i64, tpu.core_type = #tpu.core_type<tc>} {
    %get3A = arith.constant 0 : index
    %get3A_0 = vector.load %arg2[%get3A] : memref<10112xf32, #tpu.memory_space<vmem>>, vector<10112xf32>
    %get3A_1 = arith.constant 0 : index
    %get3A_2 = arith.constant 0 : index
    %get3A_3 = arith.constant 0 : index
    %get3A_4 = vector.load %arg0[%get3A_1, %get3A_2, %get3A_3] : memref<2x10112x128xf32, #tpu.memory_space<vmem>>, vector<1x10112x128xf32>
    %get3A_5 = vector.shape_cast %get3A_4 : vector<1x10112x128xf32> to vector<10112x128xf32>
    %get3A_6 = arith.constant 1 : index
    %get3A_7 = arith.constant 0 : index
    %get3A_8 = arith.constant 0 : index
    %get3A_9 = vector.load %arg0[%get3A_6, %get3A_7, %get3A_8] : memref<2x10112x128xf32, #tpu.memory_space<vmem>>, vector<1x10112x128xf32>
    %get3A_10 = vector.shape_cast %get3A_9 : vector<1x10112x128xf32> to vector<10112x128xf32>
    %add3A = arith.addf %get3A_5, %get3A_10 : vector<10112x128xf32>
    %get3A_11 = arith.constant 0 : index
    %get3A_12 = arith.constant 0 : index
    %get3A_13 = vector.load %arg1[%get3A_11, %get3A_12] : memref<10112x128xf32, #tpu.memory_space<vmem>>, vector<10112x128xf32>
    %add3A_14 = arith.addf %add3A, %get3A_13 : vector<10112x128xf32>
    %broadcast_in_dim3A = vector.shape_cast %get3A_0 : vector<10112xf32> to vector<10112x1xf32>
    %mul3A = vector.broadcast %broadcast_in_dim3A : vector<10112x1xf32> to vector<10112x128xf32>
    %mul3A_15 = arith.mulf %add3A_14, %mul3A : vector<10112x128xf32>
    %iota3A = tpu.iota {dimensions = array<i32: 0>} : vector<10112x1xi32>
    %lt3A = arith.constant 10000 : i32
    %lt3A_16 = vector.broadcast %lt3A : i32 to vector<10112x1xi32>
    %lt3A_17 = arith.cmpi slt, %iota3A, %lt3A_16 : vector<10112x1xi32>
    %get3A_18 = arith.constant 0 : index
    %get3A_19 = arith.constant 0 : index
    %get3A_20 = vector.load %arg3[%get3A_18, %get3A_19] : memref<128x128xf32, #tpu.memory_space<vmem>>, vector<128x128xf32>
    %dot_general3A = arith.constant dense<0.000000e+00> : vector<10112x128xf32>
    %dot_general3A_21 = tpu.matmul %mul3A_15, %get3A_20, %dot_general3A {dimension_numbers = #tpu.dot_dimension_numbers<[1], [0], [0], [1], [0, 0, 1, 1], [], []>, transpose_lhs_hint = false} : vector<10112x128xf32>, vector<128x128xf32>, vector<10112x128xf32> -> vector<10112x128xf32>
    %get3A_22 = arith.constant 0 : index
    %get3A_23 = vector.load %arg5[%get3A_22] : memref<128xf32, #tpu.memory_space<vmem>>, vector<128xf32>
    %broadcast_in_dim3A_24 = vector.shape_cast %get3A_23 : vector<128xf32> to vector<1x128xf32>
    %add3A_25 = vector.broadcast %broadcast_in_dim3A_24 : vector<1x128xf32> to vector<10112x128xf32>
    %add3A_26 = arith.addf %dot_general3A_21, %add3A_25 : vector<10112x128xf32>
    %max3A = arith.constant 0.000000e+00 : f32
    %max3A_27 = vector.broadcast %max3A : f32 to vector<10112x128xf32>
    %max3A_28 = arith.maximumf %add3A_26, %max3A_27 : vector<10112x128xf32>
    %jit3A = arith.constant 0.000000e+00 : f32
    %broadcast_in_dim3A_29 = vector.shape_cast %lt3A_17 : vector<10112x1xi1> to vector<10112x1xi1>
    %broadcast_in_dim3A_30 = vector.broadcast %broadcast_in_dim3A_29 : vector<10112x1xi1> to vector<10112x128xi1>
    %broadcast_in_dim3A_31 = vector.broadcast %jit3A : f32 to vector<10112x128xf32>
    %select_n3A = arith.select %broadcast_in_dim3A_30, %max3A_28, %broadcast_in_dim3A_31 : vector<10112x128xi1>, vector<10112x128xf32>
    %get3A_32 = arith.constant 0 : index
    %get3A_33 = arith.constant 0 : index
    %get3A_34 = vector.load %arg4[%get3A_32, %get3A_33] : memref<128x128xf32, #tpu.memory_space<vmem>>, vector<128x128xf32>
    %dot_general3A_35 = arith.constant dense<0.000000e+00> : vector<10112x128xf32>
    %dot_general3A_36 = tpu.matmul %mul3A_15, %get3A_34, %dot_general3A_35 {dimension_numbers = #tpu.dot_dimension_numbers<[1], [0], [0], [1], [0, 0, 1, 1], [], []>, transpose_lhs_hint = false} : vector<10112x128xf32>, vector<128x128xf32>, vector<10112x128xf32> -> vector<10112x128xf32>
    %get3A_37 = arith.constant 0 : index
    %get3A_38 = vector.load %arg6[%get3A_37] : memref<128xf32, #tpu.memory_space<vmem>>, vector<128xf32>
    %broadcast_in_dim3A_39 = vector.shape_cast %get3A_38 : vector<128xf32> to vector<1x128xf32>
    %add3A_40 = vector.broadcast %broadcast_in_dim3A_39 : vector<1x128xf32> to vector<10112x128xf32>
    %add3A_41 = arith.addf %dot_general3A_36, %add3A_40 : vector<10112x128xf32>
    %max3A_42 = arith.constant 0.000000e+00 : f32
    %max3A_43 = vector.broadcast %max3A_42 : f32 to vector<10112x128xf32>
    %max3A_44 = arith.maximumf %add3A_41, %max3A_43 : vector<10112x128xf32>
    %jit3A_45 = arith.constant 0.000000e+00 : f32
    %broadcast_in_dim3A_46 = vector.shape_cast %lt3A_17 : vector<10112x1xi1> to vector<10112x1xi1>
    %broadcast_in_dim3A_47 = vector.broadcast %broadcast_in_dim3A_46 : vector<10112x1xi1> to vector<10112x128xi1>
    %broadcast_in_dim3A_48 = vector.broadcast %jit3A_45 : f32 to vector<10112x128xf32>
    %select_n3A_49 = arith.select %broadcast_in_dim3A_47, %max3A_44, %broadcast_in_dim3A_48 : vector<10112x128xi1>, vector<10112x128xf32>
    %swap3A = arith.constant 0 : index
    %swap3A_50 = arith.constant 0 : index
    %swap3A_51 = vector.load %arg7[%swap3A, %swap3A_50] : memref<10112x128xf32, #tpu.memory_space<vmem>>, vector<10112x128xf32>
    tpu.vector_store %arg7[%swap3A, %swap3A_50], %select_n3A {strides = array<i32>} : memref<10112x128xf32, #tpu.memory_space<vmem>>, vector<10112x128xf32>,
    %swap3A_52 = arith.constant 0 : index
    %swap3A_53 = arith.constant 0 : index
    %swap3A_54 = vector.load %arg8[%swap3A_52, %swap3A_53] : memref<10112x128xf32, #tpu.memory_space<vmem>>, vector<10112x128xf32>
    tpu.vector_store %arg8[%swap3A_52, %swap3A_53], %select_n3A_49 {strides = array<i32>} : memref<10112x128xf32, #tpu.memory_space<vmem>>, vector<10112x128xf32>,
    %reduce_sum3A = arith.constant dense<0.000000e+00> : vector<128xf32>
    %reduce_sum3A_55 = vector.multi_reduction <add>, %select_n3A, %reduce_sum3A [0] : vector<10112x128xf32> to vector<128xf32>
    %broadcast_in_dim3A_56 = vector.shape_cast %reduce_sum3A_55 : vector<128xf32> to vector<1x128xf32>
    %mul3A_57 = arith.mulf %select_n3A, %select_n3A : vector<10112x128xf32>
    %reduce_sum3A_58 = arith.constant dense<0.000000e+00> : vector<128xf32>
    %reduce_sum3A_59 = vector.multi_reduction <add>, %mul3A_57, %reduce_sum3A_58 [0] : vector<10112x128xf32> to vector<128xf32>
    %broadcast_in_dim3A_60 = vector.shape_cast %reduce_sum3A_59 : vector<128xf32> to vector<1x128xf32>
    %reduce_sum3A_61 = arith.constant dense<0.000000e+00> : vector<128xf32>
    %reduce_sum3A_62 = vector.multi_reduction <add>, %select_n3A_49, %reduce_sum3A_61 [0] : vector<10112x128xf32> to vector<128xf32>
    %broadcast_in_dim3A_63 = vector.shape_cast %reduce_sum3A_62 : vector<128xf32> to vector<1x128xf32>
    %mul3A_64 = arith.mulf %select_n3A_49, %select_n3A_49 : vector<10112x128xf32>
    %reduce_sum3A_65 = arith.constant dense<0.000000e+00> : vector<128xf32>
    %reduce_sum3A_66 = vector.multi_reduction <add>, %mul3A_64, %reduce_sum3A_65 [0] : vector<10112x128xf32> to vector<128xf32>
    %broadcast_in_dim3A_67 = vector.shape_cast %reduce_sum3A_66 : vector<128xf32> to vector<1x128xf32>
    %concatenate3A = tpu.concatenate %broadcast_in_dim3A_56, %broadcast_in_dim3A_60, %broadcast_in_dim3A_63, %broadcast_in_dim3A_67 in 0 : vector<1x128xf32>, vector<1x128xf32>, vector<1x128xf32>, vector<1x128xf32> -> vector<4x128xf32>
    %swap3A_68 = arith.constant 0 : index
    %swap3A_69 = arith.constant 0 : index
    %swap3A_70 = vector.load %arg9[%swap3A_68, %swap3A_69] : memref<4x128xf32, #tpu.memory_space<vmem>>, vector<4x128xf32>
    tpu.vector_store %arg9[%swap3A_68, %swap3A_69], %concatenate3A {strides = array<i32>} : memref<4x128xf32, #tpu.memory_space<vmem>>, vector<4x128xf32>,
    return
  }
}

module attributes {stable_mosaic.version = 14 : i64} {
  func.func @_final_body(%arg0: i32, %arg1: memref<400x128xf32, #tpu.memory_space<vmem>>, %arg2: memref<400x128xf32, #tpu.memory_space<vmem>>, %arg3: memref<4x128xf32, #tpu.memory_space<vmem>>, %arg4: memref<128xf32, #tpu.memory_space<vmem>>, %arg5: memref<128xf32, #tpu.memory_space<vmem>>, %arg6: memref<128xf32, #tpu.memory_space<vmem>>, %arg7: memref<128xf32, #tpu.memory_space<vmem>>, %arg8: memref<400x128xf32, #tpu.memory_space<vmem>>) attributes {dimension_semantics = [#tpu.dimension_semantics<arbitrary>], iteration_bounds = array<i64: 25>, scalar_prefetch = 0 : i64, scratch_operands = 0 : i64, tpu.core_type = #tpu.core_type<tc>, window_params = [{transform_indices = @transform_0, window_bounds = array<i64: 400, 128>}, {transform_indices = @transform_1, window_bounds = array<i64: 400, 128>}, {pipeline_mode = #tpu.pipeline_mode<synchronous>, transform_indices = @transform_2, window_bounds = array<i64: 4, 128>}, {pipeline_mode = #tpu.pipeline_mode<synchronous>, transform_indices = @transform_3, window_bounds = array<i64: 128>}, {pipeline_mode = #tpu.pipeline_mode<synchronous>, transform_indices = @transform_4, window_bounds = array<i64: 128>}, {pipeline_mode = #tpu.pipeline_mode<synchronous>, transform_indices = @transform_5, window_bounds = array<i64: 128>}, {pipeline_mode = #tpu.pipeline_mode<synchronous>, transform_indices = @transform_6, window_bounds = array<i64: 128>}, {transform_indices = @transform_7, window_bounds = array<i64: 400, 128>}]} {
    %get3A = arith.constant 0 : index
    %get3A_0 = arith.constant 0 : index
    %get3A_1 = vector.load %arg3[%get3A, %get3A_0] : memref<4x128xf32, #tpu.memory_space<vmem>>, vector<1x128xf32>
    %get3A_2 = vector.shape_cast %get3A_1 : vector<1x128xf32> to vector<128xf32>
    %mul3A = arith.constant 9.99999974E-5 : f32
    %mul3A_3 = vector.broadcast %mul3A : f32 to vector<128xf32>
    %mul3A_4 = arith.mulf %get3A_2, %mul3A_3 : vector<128xf32>
    %get3A_5 = arith.constant 1 : index
    %get3A_6 = arith.constant 0 : index
    %get3A_7 = vector.load %arg3[%get3A_5, %get3A_6] : memref<4x128xf32, #tpu.memory_space<vmem>>, vector<1x128xf32>
    %get3A_8 = vector.shape_cast %get3A_7 : vector<1x128xf32> to vector<128xf32>
    %mul3A_9 = arith.constant 9.99999974E-5 : f32
    %mul3A_10 = vector.broadcast %mul3A_9 : f32 to vector<128xf32>
    %mul3A_11 = arith.mulf %get3A_8, %mul3A_10 : vector<128xf32>
    %mul3A_12 = arith.mulf %mul3A_4, %mul3A_4 : vector<128xf32>
    %sub3A = arith.subf %mul3A_11, %mul3A_12 : vector<128xf32>
    %get3A_13 = arith.constant 2 : index
    %get3A_14 = arith.constant 0 : index
    %get3A_15 = vector.load %arg3[%get3A_13, %get3A_14] : memref<4x128xf32, #tpu.memory_space<vmem>>, vector<1x128xf32>
    %get3A_16 = vector.shape_cast %get3A_15 : vector<1x128xf32> to vector<128xf32>
    %mul3A_17 = arith.constant 9.99999974E-5 : f32
    %mul3A_18 = vector.broadcast %mul3A_17 : f32 to vector<128xf32>
    %mul3A_19 = arith.mulf %get3A_16, %mul3A_18 : vector<128xf32>
    %get3A_20 = arith.constant 3 : index
    %get3A_21 = arith.constant 0 : index
    %get3A_22 = vector.load %arg3[%get3A_20, %get3A_21] : memref<4x128xf32, #tpu.memory_space<vmem>>, vector<1x128xf32>
    %get3A_23 = vector.shape_cast %get3A_22 : vector<1x128xf32> to vector<128xf32>
    %mul3A_24 = arith.constant 9.99999974E-5 : f32
    %mul3A_25 = vector.broadcast %mul3A_24 : f32 to vector<128xf32>
    %mul3A_26 = arith.mulf %get3A_23, %mul3A_25 : vector<128xf32>
    %mul3A_27 = arith.mulf %mul3A_19, %mul3A_19 : vector<128xf32>
    %sub3A_28 = arith.subf %mul3A_26, %mul3A_27 : vector<128xf32>
    %add3A = arith.constant 9.99999974E-6 : f32
    %add3A_29 = vector.broadcast %add3A : f32 to vector<128xf32>
    %add3A_30 = arith.addf %sub3A, %add3A_29 : vector<128xf32>
    %rsqrt3A = math.rsqrt %add3A_30 : vector<128xf32>
    %get3A_31 = arith.constant 0 : index
    %get3A_32 = vector.load %arg4[%get3A_31] : memref<128xf32, #tpu.memory_space<vmem>>, vector<128xf32>
    %mul3A_33 = arith.mulf %rsqrt3A, %get3A_32 : vector<128xf32>
    %add3A_34 = arith.constant 9.99999974E-6 : f32
    %add3A_35 = vector.broadcast %add3A_34 : f32 to vector<128xf32>
    %add3A_36 = arith.addf %sub3A_28, %add3A_35 : vector<128xf32>
    %rsqrt3A_37 = math.rsqrt %add3A_36 : vector<128xf32>
    %get3A_38 = arith.constant 0 : index
    %get3A_39 = vector.load %arg5[%get3A_38] : memref<128xf32, #tpu.memory_space<vmem>>, vector<128xf32>
    %mul3A_40 = arith.mulf %rsqrt3A_37, %get3A_39 : vector<128xf32>
    %get3A_41 = arith.constant 0 : index
    %get3A_42 = arith.constant 0 : index
    %get3A_43 = vector.load %arg1[%get3A_41, %get3A_42] : memref<400x128xf32, #tpu.memory_space<vmem>>, vector<400x128xf32>
    %broadcast_in_dim3A = vector.shape_cast %mul3A_4 : vector<128xf32> to vector<1x128xf32>
    %sub3A_44 = vector.broadcast %broadcast_in_dim3A : vector<1x128xf32> to vector<400x128xf32>
    %sub3A_45 = arith.subf %get3A_43, %sub3A_44 : vector<400x128xf32>
    %broadcast_in_dim3A_46 = vector.shape_cast %mul3A_33 : vector<128xf32> to vector<1x128xf32>
    %mul3A_47 = vector.broadcast %broadcast_in_dim3A_46 : vector<1x128xf32> to vector<400x128xf32>
    %mul3A_48 = arith.mulf %sub3A_45, %mul3A_47 : vector<400x128xf32>
    %get3A_49 = arith.constant 0 : index
    %get3A_50 = vector.load %arg6[%get3A_49] : memref<128xf32, #tpu.memory_space<vmem>>, vector<128xf32>
    %broadcast_in_dim3A_51 = vector.shape_cast %get3A_50 : vector<128xf32> to vector<1x128xf32>
    %add3A_52 = vector.broadcast %broadcast_in_dim3A_51 : vector<1x128xf32> to vector<400x128xf32>
    %add3A_53 = arith.addf %mul3A_48, %add3A_52 : vector<400x128xf32>
    %get3A_54 = arith.constant 0 : index
    %get3A_55 = arith.constant 0 : index
    %get3A_56 = vector.load %arg2[%get3A_54, %get3A_55] : memref<400x128xf32, #tpu.memory_space<vmem>>, vector<400x128xf32>
    %broadcast_in_dim3A_57 = vector.shape_cast %mul3A_19 : vector<128xf32> to vector<1x128xf32>
    %sub3A_58 = vector.broadcast %broadcast_in_dim3A_57 : vector<1x128xf32> to vector<400x128xf32>
    %sub3A_59 = arith.subf %get3A_56, %sub3A_58 : vector<400x128xf32>
    %broadcast_in_dim3A_60 = vector.shape_cast %mul3A_40 : vector<128xf32> to vector<1x128xf32>
    %mul3A_61 = vector.broadcast %broadcast_in_dim3A_60 : vector<1x128xf32> to vector<400x128xf32>
    %mul3A_62 = arith.mulf %sub3A_59, %mul3A_61 : vector<400x128xf32>
    %get3A_63 = arith.constant 0 : index
    %get3A_64 = vector.load %arg7[%get3A_63] : memref<128xf32, #tpu.memory_space<vmem>>, vector<128xf32>
    %broadcast_in_dim3A_65 = vector.shape_cast %get3A_64 : vector<128xf32> to vector<1x128xf32>
    %add3A_66 = vector.broadcast %broadcast_in_dim3A_65 : vector<1x128xf32> to vector<400x128xf32>
    %add3A_67 = arith.addf %mul3A_62, %add3A_66 : vector<400x128xf32>
    %max3A = arith.maximumf %add3A_53, %add3A_67 : vector<400x128xf32>
    %swap3A = arith.constant 0 : index
    %swap3A_68 = arith.constant 0 : index
    %swap3A_69 = vector.load %arg8[%swap3A, %swap3A_68] : memref<400x128xf32, #tpu.memory_space<vmem>>, vector<400x128xf32>
    tpu.vector_store %arg8[%swap3A, %swap3A_68], %max3A {strides = array<i32>} : memref<400x128xf32, #tpu.memory_space<vmem>>, vector<400x128xf32>,
    return
  }
  func.func @transform_0(%arg0: i32) -> (i32, i32) {
    %c0_i32 = arith.constant 0 : i32
    %c0_i32_0 = arith.constant 0 : i32
    return %arg0, %c0_i32 : i32, i32
  }
  func.func @transform_1(%arg0: i32) -> (i32, i32) {
    %c0_i32 = arith.constant 0 : i32
    %c0_i32_0 = arith.constant 0 : i32
    return %arg0, %c0_i32 : i32, i32
  }
  func.func @transform_2(%arg0: i32) -> (i32, i32) {
    %c0_i32 = arith.constant 0 : i32
    %c0_i32_0 = arith.constant 0 : i32
    %c0_i32_1 = arith.constant 0 : i32
    return %c0_i32, %c0_i32_0 : i32, i32
  }
  func.func @transform_3(%arg0: i32) -> i32 {
    %c0_i32 = arith.constant 0 : i32
    %c0_i32_0 = arith.constant 0 : i32
    return %c0_i32 : i32
  }
  func.func @transform_4(%arg0: i32) -> i32 {
    %c0_i32 = arith.constant 0 : i32
    %c0_i32_0 = arith.constant 0 : i32
    return %c0_i32 : i32
  }
  func.func @transform_5(%arg0: i32) -> i32 {
    %c0_i32 = arith.constant 0 : i32
    %c0_i32_0 = arith.constant 0 : i32
    return %c0_i32 : i32
  }
  func.func @transform_6(%arg0: i32) -> i32 {
    %c0_i32 = arith.constant 0 : i32
    %c0_i32_0 = arith.constant 0 : i32
    return %c0_i32 : i32
  }
  func.func @transform_7(%arg0: i32) -> (i32, i32) {
    %c0_i32 = arith.constant 0 : i32
    %c0_i32_0 = arith.constant 0 : i32
    return %arg0, %c0_i32 : i32, i32
  }
}

</mosaic_0001>

<sc_bundles>
// kernel: kernel.10.cloned.1.call-start
scs
__scs_entry_jumppad:
0x0: {  	(pc) =	sbr.rel $0x88, $3  }
0x1: {  	(tag) =	ssettag $0x0;
	lr =	simm.s32 $0x1  }
0x2: {  	[smem:$0x3F9B] =	sst lr;
	_ =	strace $0xD0000000  }
0x3: {  	_ = 	snop  }
0x4: {  	_ = 	snop  }
0x5: {  	_ = 	snop  }
0x6: {  	_ = 	snop  }
0x7: {  	_ = 	snop  }
__scs_overlays_trampoline_lowered:
0x8: {  	[smem:$0x3FAA] =	sst s0  }
0x9: {  	[smem:$0x3FAB] =	sst s1  }
0xa: {  	[smem:$0x3FAC] =	sst s2  }
0xb: {  	[smem:$0x3FAD] =	sst s3  }
0xc: {  	[smem:$0x3FAE] =	sst s4  }
0xd: {  	[smem:$0x3FAF] =	sst s5  }
0xe: {  	[smem:$0x3FB0] =	sst s6  }
0xf: {  	[smem:$0x3FB1] =	sst s7  }
0x10: {  	[smem:$0x3FB2] =	sst s8  }
0x11: {  	[smem:$0x3FB3] =	sst s9;
	s0 =	simm.s32 @!p0 $0x0  }
0x12: {  	s1 =	sld [smem:$0x3F99];
	s0 =	simm.s32 @p0 $0x1  }
0x13: {  	[smem:$0x3FB4] =	sst s0;
	s0 =	simm.s32 @!p1 $0x0  }
0x14: {  	s2 =	sld [smem:$0x3F98];
	s0 =	simm.s32 @p1 $0x1  }
0x15: {  	[smem:$0x3FB5] =	sst s0;
	s0 =	simm.s32 @!p2 $0x0  }
0x16: {  	s3 =	sld [smem:$0x3FDB];
	s0 =	simm.s32 @p2 $0x1  }
0x17: {  	s4 =	simm.s32 $0x1BF5;
	[smem:$0x3FB7] =	sst s0  }
0x18: {  	s0 =	sld [smem:$0x3F9A];
	_ =	swait.ge [sflag:s4], $0x0  }
0x19: {  	s7 =	sld [smem:$0x3F9B]  }
0x1a: {  	s8 =	sadd.s32 $0xFFFFE003, lr  }
0x1b: {  	s9 =	sadd.s32 $0xFFFFFEF7, lr;
	s5 =	simm.s32 $0xFFFFFFFF;
	p2 =	slt.u32 s8, $0xFFFFF086  }
0x1c: {  	p1 =	slt.u32 s9, $0xF7A;
	s5 =	simm.s32 @!p2 $0x0  }
0x1d: {  	s5 =	simm.s32 @p1 $0x1;
	p0 =	seq.s32 s7, s2  }
0x1e: {  	s7 =	smul.u32 @!p0 $0xF7A, s2;
	p2 =	seq.s32 @!p0 s5, $0x0  }
0x1f: {  	s9 =	smul.u32 $0xF7A, s1;
	s8 =	simm.s32 @!p0 $0x1BF5;
	p2 =	por !p2, p0  }
0x20: {  	[sflag:s8] =	ssyncset.s32 @!p0 $0xFFFFF086;
	s6 =	sadd.s32 @!p0 s3, s7;
	s7 =	simm.s32 @!p0 $0x108  }
0x21: {  	s3 =	sadd.s32 s3, s9;
	s6 =	sadd.s32 @!p0 $0x88, s6;
	s7 =	simm.s32 @p2 $0x1082  }
0x22: {  	[simem:s7], [sflag:s8] =	dma.local @!p0 [hbm:s6], $0xF7A  }
0x23: {  	s9 =	sor.u32 $0xD0000000, s2;
	s6 =	simm.s32 $0x108;
	_ =	swait.ge @!p0 [sflag:s8], $0x0  }
0x24: {  	s3 =	sadd.s32 $0x88, s3;
	s6 =	simm.s32 @!p1 $0x1082;
	[sflag:s4] =	ssyncset.s32 $0xFFFFF086  }
0x25: {  	[simem:s6], [sflag:s4] =	dma.local [hbm:s3], $0xF7A  }
0x26: {  	[smem:$0x3F9B] =	sst s1;
	(tag) =	ssettag s2;
	_ =	strace s9  }
0x27: {  	s1 =	sld [smem:$0x3FAB]  }
0x28: {  	s2 =	sld [smem:$0x3FAC]  }
0x29: {  	s4 =	sld [smem:$0x3FAE]  }
0x2a: {  	p0 =	seq.s32 s5, $0x0;
	s5 =	sld [smem:$0x3FAF]  }
0x2b: {  	s6 =	sld [smem:$0x3FB0]  }
0x2c: {  	s7 =	sld [smem:$0x3FB1]  }
0x2d: {  	s3 =	simm.s32 $0x108;
	s8 =	sld [smem:$0x3FB2]  }
0x2e: {  	s3 =	simm.s32 @!p0 $0x1082;
	s9 =	sld [smem:$0x3FB3]  }
0x2f: {  	lr =	sadd.s32 s0, s3;
	s0 =	sld [smem:$0x3FAA]  }
0x30: {  	s3 =	sld [smem:$0x3FAD]  }
0x31: {  	[smem:$0x3FB6] =	sst s10  }
0x32: {  	s10 =	sld [smem:$0x3FB4];
	_ =	sdelay $0x3  }
0x33: {  	p0 =	seq.s32 s10, $0x1;
	s10 =	sld [smem:$0x3FB6];
	_ =	sdelay $0x3  }
0x34: {  	[smem:$0x3FB6] =	sst s10  }
0x35: {  	s10 =	sld [smem:$0x3FB5];
	_ =	sdelay $0x3  }
0x36: {  	p1 =	seq.s32 s10, $0x1;
	s10 =	sld [smem:$0x3FB6];
	_ =	sdelay $0x3  }
0x37: {  	[smem:$0x3FB6] =	sst s10  }
0x38: {  	s10 =	sld [smem:$0x3FB7]  }
0x39: {  	_ = 	snop;
	(pc) =	sbr.ind lr, $3  }
0x3a: {  	_ = 	snop  }
0x3b: {  	_ = 	snop  }
0x3c: {  	p2 =	seq.s32 s10, $0x1;
	s10 =	sld [smem:$0x3FB6]  }
0x3d: {  	_ =	shalt  }
0x3e: {  	_ =	shalt  }
0x3f: {  	_ =	shalt  }
0x40: {  	_ =	shalt  }
0x41: {  	_ =	shalt  }
0x42: {  	_ =	shalt  }
0x43: {  	_ =	shalt  }
0x44: {  	_ =	shalt  }
0x45: {  	_ =	shalt  }
0x46: {  	_ =	shalt  }
0x47: {  	_ =	shalt  }
0x48: {  	_ =	shalt  }
0x49: {  	_ =	shalt  }
0x4a: {  	_ =	shalt  }
0x4b: {  	_ =	shalt  }
0x4c: {  	_ =	shalt  }
0x4d: {  	_ =	shalt  }
0x4e: {  	_ =	shalt  }
0x4f: {  	_ =	shalt  }
0x50: {  	_ =	shalt  }
0x51: {  	_ =	shalt  }
0x52: {  	_ =	shalt  }
0x53: {  	_ =	shalt  }
0x54: {  	_ =	shalt  }
0x55: {  	_ =	shalt  }
0x56: {  	_ =	shalt  }
0x57: {  	_ =	shalt  }
0x58: {  	_ =	shalt  }
0x59: {  	_ =	shalt  }
0x5a: {  	_ =	shalt  }
0x5b: {  	_ =	shalt  }
0x5c: {  	_ =	shalt  }
0x5d: {  	_ =	shalt  }
0x5e: {  	_ =	shalt  }
0x5f: {  	_ =	shalt  }
0x60: {  	_ =	shalt  }
0x61: {  	_ =	shalt  }
0x62: {  	_ =	shalt  }
0x63: {  	_ =	shalt  }
0x64: {  	_ =	shalt  }
0x65: {  	_ =	shalt  }
0x66: {  	_ =	shalt  }
0x67: {  	_ =	shalt  }
0x68: {  	_ =	shalt  }
0x69: {  	_ =	shalt  }
0x6a: {  	_ =	shalt  }
0x6b: {  	_ =	shalt  }
0x6c: {  	_ =	shalt  }
0x6d: {  	_ =	shalt  }
0x6e: {  	_ =	shalt  }
0x6f: {  	_ =	shalt  }
0x70: {  	_ =	shalt  }
0x71: {  	_ =	shalt  }
0x72: {  	_ =	shalt  }
0x73: {  	_ =	shalt  }
0x74: {  	_ =	shalt  }
0x75: {  	_ =	shalt  }
0x76: {  	_ =	shalt  }
0x77: {  	_ =	shalt  }
0x78: {  	_ =	shalt  }
0x79: {  	_ =	shalt  }
0x7a: {  	_ =	shalt  }
0x7b: {  	_ =	shalt  }
0x7c: {  	_ =	shalt  }
0x7d: {  	_ =	shalt  }
0x7e: {  	_ =	shalt  }
0x7f: {  	_ =	shalt  }
0x80: {  	_ =	shalt  }
0x81: {  	_ =	shalt  }
0x82: {  	_ =	shalt  }
0x83: {  	_ =	shalt  }
0x84: {  	_ =	shalt  }
0x85: {  	_ =	shalt  }
0x86: {  	_ =	shalt  }
0x87: {  	_ =	shalt  }
.Lfunc_end0:
.L_simem_size_0:
called_computation.1_lowered:
.L_overlay_start_0:
0x88: {  	s2 =	sld [smem:$0x3FD9]  }
0x89: {  	s3 =	sld [smem:$0x3FFE];
	_ =	sdelay $0x1  }
0x8a: {  	s1 =	srdreg.scid  }
0x8b: {  	s0 =	sand.u32 $0x1, s1  }
0x8c: {  	s17 =	sshll.u32 s0, $0xA;
	s2 =	sadd.s32 s3, s2  }
0x8d: {  	s2 =	sadd.s32 s2, s17  }
0x8e: {  	[smem:$0x3FC2] =	sst s2  }
0x8f: {  	_ = 	snop  }
0x90: {  	s2 =	sld [smem:$0x3FD0];
	(tm) =	ssettm $0x1  }
0x91: {  	s18 =	sld [smem:$0x3FFB];
	_ =	sdelay $0x3  }
0x92: {  	_ =	strace s18  }
0x93: {  	s3 =	sld [smem:$0x3FFC];
	_ =	sdelay $0x3  }
0x94: {  	_ =	strace s3  }
0x95: {  	s3 =	sld [smem:$0x3FFD];
	_ =	sdelay $0x3  }
0x96: {  	_ =	strace s3  }
0x97: {  	_ =	strace $0x8FFFFFFF  }
0x98: {  	s19 =	sld [smem:$0x3FDB];
	_ =	sdelay $0x1  }
0x99: {  	s4 =	simm.s32 $_scs_section_size  }
0x9a: {  	s5 =	simm.s32 $_size__tile_overlayer_lowered;
	s6 =	simm.s32 $_tile_overlayer_lowered  }
0x9b: {  	s22 =	simm.s32 $0x1BFF;
	s21 =	sshll.u32 s6, $0x1;
	s3 =	sadd.s32 s4, s19  }
0x9c: {  	s7 =	simm.s32 $0x0;
	s20 =	sshll.u32 s5, $0x1;
	s5 =	sadd.s32 s21, s3  }
0x9d: {  	[timem:s7], [sflag:s22] =	dma.local [hbm:s5], s20  }
0x9e: {  	_ =	swait.ge [sflag:s22], s20  }
0x9f: {  	s4 =	ssub.s32 $0x0, s20;
	[sflag:s22] =	ssyncset.done $0x0  }
0xa0: {  	[sflag:s22] =	ssyncadd.s32 s4;
	_ =	sdelay $0x1  }
0xa1: {  	s23 =	simm.s32 $0x1B8B  }
0xa2: {  	_ =	swait.ge [sflag:s23], $0x1  }
0xa3: {  	[sflag:s23] =	ssyncset.done $0x0  }
0xa4: {  	s25 =	simm.s32 $0x1B8E;
	s24 =	sld [smem:$0x3FFE];
	[sflag:s23] =	ssyncadd.s32 $0xFFFFFFFF  }
0xa5: {  	s26 =	simm.s32 $execute0_lowered;
	[smem:$0x3FD2] =	sst s25  }
0xa6: {  	s5 =	sshll.u32 s26, $0x1;
	_ =	strace $0x80000049;
	[dreg:$0x1] =	wrdreg $0xFFFFFFFF  }
0xa7: {  	s28 =	simm.s32 $_size_execute0_lowered;
	s3 =	sadd.s32 s3, s5;
	[dreg:$0x0] =	wrdreg $0x0  }
0xa8: {  	s5 =	sshll.u32 s28, $0x1;
	[dreg:$0x2] =	wrdreg s3  }
0xa9: {  	[dreg:$0x3] =	wrdreg s5  }
0xaa: {  	[dreg:$0x4] =	wrdreg $0xC0  }
0xab: {  	_ =	task [dreg:s7], $0x5FFFF  }
0xac: {  	[dreg:$0x1] =	wrdreg $0xFFFFFFFF  }
0xad: {  	[dreg:$0x0] =	wrdreg $0x60  }
0xae: {  	[dreg:$0x2] =	wrdreg s24  }
0xaf: {  	[dreg:$0x3] =	wrdreg s2  }
0xb0: {  	[dreg:$0x4] =	wrdreg $0xA8000  }
0xb1: {  	[dreg:$0x5] =	wrdreg $0x9  }
0xb2: {  	_ =	task.clear_ibuf [dreg:s7], $0x6FFFF;
	_ =	strace $0x90000049  }
0xb3: {  	s29 =	simm.s32 $0x9;
	_ =	strace $0x8000004B  }
0xb4: {  	_ =	swait.ge [sflag:s29], $0x1  }
0xb5: {  	[sflag:s29] =	ssyncadd.s32 $0xFFFFFFFF  }
0xb6: {  	_ =	strace $0x9000004B  }
0xb7: {  	_ =	sfence  }
0xb8: {  	s30 =	sld [smem:$0x0];
	_ =	sdelay $0x2  }
0xb9: {  	s31 =	sshll.u32 s1, $0xD;
	s1 =	sshrl.u32 s1, $0x2  }
0xba: {  	s3 =	sand.u32 $0x4000, s31;
	s1 =	sadd.s32 s1, s30  }
0xbb: {  	s0 =	sor.u32 s3, s0;
	s1 =	sshll.u32 s1, $0x11  }
0xbc: {  	s0 =	sor.u32 s1, s0  }
0xbd: {  	s0 =	sadd.s32 $0x8F2B, s0  }
0xbe: {  	[sflag:s0] =	ssyncadd.remote.s32 $0x1  }
0xbf: {  	_ =	sfence.sel $0xFFFF  }
0xc0: {  	[dreg:$0x0] =	wrdreg $0xFFFFFFFF;
	(pc) =	sbr.abs _section_cstart, $3  }
0xc1: {  	[dreg:$0x1] =	wrdreg $0xFFFFFFFF  }
0xc2: {  	_ =	task.clear_ibuf [dreg:s7], $0x2FFFF;
	_ =	strace $0x9FFFFFFF  }
0xc3: {  	(tm) =	ssettm $0x7FFFFFFF  }
tec
execute0_lowered:
.L_overlay_start_1:
0x0: {  	(tag) =	ssettag $0x1  }
0x1: {  	s0 =	rddreg [dreg:$0x0]  }
0x2: {  	s2 =	rddreg [dreg:$0x1]  }
0x3: {  	s1 =	rddreg [dreg:$0x2];
	s12 =	stileid.u32  }
0x4: {  	s3 =	srdreg.scid;
	s28 =	simm.s32 $0x1480;
	s6 =	smul.u32 $0x13C00, s12  }
0x5: {  	s29 =	simm.s32 $0x4;
	s30 =	simm.s32 $0x2700;
	s11 =	smul.u32 $0x4F000, s12  }
0x6: {  	s31 =	simm.s32 $0x1380;
	s7 =	sand.u32 $0x1, s3;
	s20 =	smul.u32 $0x3C00, s12  }
0x7: {  	s3 =	simm.s32 $0x0;
	s4 =	sadd.s32 $0xC200, s0;
	s21 =	smul.u32 $0x780, s12  }
0x8: {  	s8 =	sadd.s32 $0x2200, s0;
	s19 =	sshll.u32 s12, $0x6;
	s23 =	smul.u32 $0x1400, s12  }
0x9: {  	s5 =	smul.u32 $0x13C000, s7;
	[smem:$0x7FF] =	sst s3;
	s17 =	ssub.s32 $0x2, s7  }
0xa: {  	p0 =	seq.s32 s7, $0x1;
	_ =	strace $0x8000004A;
	s10 =	sshrl.u32 s17, $0x1  }
0xb: {  	s18 =	sshrl.u32 s11, $0x2;
	s22 =	sshrl.u32 s20, $0x3;
	s24 =	sadd.s32 s2, s21  }
0xc: {  	s12 =	sshrl.u32 s23, $0x3;
	s20 =	simm.s32 $0x80;
	s23 =	simm.s32 $0x6800  }
0xd: {  	s5 =	sadd.s32 s6, s5;
	s16 =	ssub.s32 s17, s10;
	s17 =	sadd.s32 s18, s1  }
0xe: {  	s6 =	sor.u32 $0x1C05, s19;
	[dreg:$0x4] =	wrdreg s24;
	s25 =	sadd.s32 $0x280, s22  }
0xf: {  	s7 =	sadd.s32 $0x500, s22;
	s14 =	sadd.s32 $0x7800, s12;
	s18 =	simm.s32 $0x5  }
0x10: {  	s19 =	simm.s32 $0x1400;
	s22 =	simm.s32 $0x1;
	s24 =	simm.s32 $0x3  }
0x11: {  	s9 =	sshrl.u32 s5, $0x3;
	s5 =	sadd.s32 $0x33A00, s0;
	s26 =	sadd.s32 s2, s25  }
0x12: {  	s10 =	sadd.s32 s8, s25;
	s11 =	sadd.s32 s2, s7;
	s12 =	sadd.s32 s8, s7  }
.Ltmp0:
0x13: {  	s13 =	sadd.s32 s2, s14;
	s14 =	sadd.s32 s8, s14;
	(pc) =	sbr.rel .LBB2_1-.Ltmp0, $4  }
0x14: {  	s16 =	smax.u32 s16, $0x1;
	s17 =	sshrl.u32 s17, $0x3;
	s25 =	simm.s32 $0x100  }
0x15: {  	s2 =	simm.s32 $0x0;
	s0 =	sadd.s32 s9, s0;
	s9 =	sadd.s32 s8, s21  }
0x16: {  	[dreg:$0x6] =	wrdreg s26;
	s21 =	simm.s32 $0x2800;
	s26 =	simm.s32 $0x2  }
0x17: {  	[dreg:$0x5] =	wrdreg s9;
	s15 =	sadd.s32 $0x36200, s0;
	s0 =	simm.s32 $0x2780  }
.LBB2_11:
0x18: {  	[spmem:s1] =	stream.indirect.scatter.add.f32 [tilespmem:s23], [sflag:$0x4], $0x80, s8, s20, $0xb8;
	[tilespmem:$0x1E400] =	vst v63  }
0x19: {  	_ =	swait.ge [sflag:s22], $0x4000  }
0x1a: {  	[sflag:s22] =	ssyncset.done $0x0  }
0x1b: {  	[sflag:s22] =	ssyncadd.s32 $0xFFFFC000  }
0x1c: {  	[spmem:s1] =	stream.indirect.scatter.add.f32 [tilespmem:s21], [sflag:$0x3], $0x80, s30, s20, $0xb8;
	[tilespmem:$0x1E400] =	vst v63  }
0x1d: {  	_ =	swait.ge [sflag:s29], $0x4000  }
0x1e: {  	[sflag:s29] =	ssyncset.done $0x0  }
0x1f: {  	[sflag:s29] =	ssyncadd.s32 $0xFFFFC000  }
0x20: {  	[tilespmem:s23], [sflag:$0x2] =	stream.indirect.gather [hbm4b:s4+s20], $0x80, s31, s20, $0xb8;
	[tilespmem:$0x1E400] =	vst v63  }
0x21: {  	_ =	swait.ge [sflag:s24], $0x4000  }
0x22: {  	[sflag:s24] =	ssyncset.done $0x0  }
0x23: {  	[sflag:s24] =	ssyncadd.s32 $0xFFFFC000  }
0x24: {  	_ =	swait.ge [sflag:s26], $0x4000  }
0x25: {  	[sflag:s26] =	ssyncset.done $0x0  }
0x26: {  	[sflag:s26] =	ssyncadd.s32 $0xFFFFC000  }
0x27: {  	[spmem:s1] =	stream.indirect.scatter.add.f32 [tilespmem:s23], [sflag:$0x4], $0x80, s0, s20, $0xb8;
	[tilespmem:$0x1E400] =	vst v63  }
.LBB2_12:
0x28: {  	_ =	swait.ge [sflag:s29], $0x4000  }
0x29: {  	s2 =	sadd.s32 $0x1, s2;
	[sflag:s29] =	ssyncset.done $0x0  }
0x2a: {  	p1 =	sne.s32 s2, s16;
	[sflag:s29] =	ssyncadd.s32 $0xFFFFC000  }
.Ltmp1:
0x2b: {  	[bflag:$0x0] =	sbarrier.arrive $0xFFFF;
	(pc) =	sbr.rel @!p1 .LBB2_13-.Ltmp1, $4  }
0x2c: {  	[hbm:s15], [sflag:s6] =	dma.local [spmem:s17], $0x2780  }
0x2d: {  	_ =	swait.ge [sflag:s18], $0x2780  }
0x2e: {  	[sflag:s18] =	ssyncset.done $0x0  }
0x2f: {  	[sflag:s18] =	ssyncadd.s32 $0xFFFFD880  }
.LBB2_1:
0x30: {  	[spmem:s17], [sflag:s6] =	dma.local [hbm:s5], $0x2780  }
.Ltmp2:
0x31: {  	_ =	swait.ge [sflag:s18], $0x2780;
	(pc) =	sbr.rel @!p0 .LBB2_2-.Ltmp2, $3  }
0x32: {  	[sflag:s18] =	ssyncset.done $0x0  }
0x33: {  	[sflag:s18] =	ssyncadd.s32 $0xFFFFD880  }
0x34: {  	[bflag:$0x0] =	sbarrier.arrive $0xFFFF;
	_ =	sdelay $0x1  }
0x35: {  	[tilespmem:s3], [sflag:$0x5] =	stream.linear.gather [hbm4b:s13+s3], $0x1400, $0x38;
	[tilespmem:$0x1E400] =	vst v63  }
0x36: {  	_ =	swait.ge [sflag:s18], $0x1400  }
0x37: {  	[sflag:s18] =	ssyncset.done $0x0  }
0x38: {  	[sflag:s18] =	ssyncadd.s32 $0xFFFFEC00  }
0x39: {  	[tilespmem:s19], [sflag:$0x5] =	stream.linear.gather [hbm4b:s14+s3], $0x1400, $0x38;
	[tilespmem:$0x1E400] =	vst v63  }
0x3a: {  	_ =	swait.ge [sflag:s18], $0x1400  }
0x3b: {  	[sflag:s18] =	ssyncset.done $0x0  }
0x3c: {  	[sflag:s18] =	ssyncadd.s32 $0xFFFFEC00  }
0x3d: {  	[tilespmem:s21], [sflag:$0x1] =	stream.indirect.gather [hbm4b:s4+s20], $0x80, s3, s20, $0xb8;
	[tilespmem:$0x1E400] =	vst v63  }
0x3e: {  	_ =	swait.ge [sflag:s22], $0x4000  }
0x3f: {  	[sflag:s22] =	ssyncset.done $0x0  }
0x40: {  	[sflag:s22] =	ssyncadd.s32 $0xFFFFC000  }
0x41: {  	[spmem:s1] =	stream.indirect.scatter.add.f32 [tilespmem:s21], [sflag:$0x3], $0x80, s19, s20, $0xb8;
	[tilespmem:$0x1E400] =	vst v63  }
0x42: {  	_ = 	snop  }
0x43: {  	[tilespmem:s23], [sflag:$0x2] =	stream.indirect.gather [hbm4b:s4+s20], $0x80, s20, s20, $0xb8;
	[tilespmem:$0x1E400] =	vst v63  }
0x44: {  	_ =	swait.ge [sflag:s24], $0x4000  }
0x45: {  	[sflag:s24] =	ssyncset.done $0x0  }
0x46: {  	[sflag:s24] =	ssyncadd.s32 $0xFFFFC000  }
0x47: {  	[tilespmem:s21], [sflag:$0x1] =	stream.indirect.gather [hbm4b:s4+s20], $0x80, s25, s20, $0xb8;
	[tilespmem:$0x1E400] =	vst v63  }
0x48: {  	_ =	swait.ge [sflag:s26], $0x4000  }
0x49: {  	[sflag:s26] =	ssyncset.done $0x0  }
0x4a: {  	[sflag:s26] =	ssyncadd.s32 $0xFFFFC000  }
0x4b: {  	[spmem:s1] =	stream.indirect.scatter.add.f32 [tilespmem:s23], [sflag:$0x4], $0x80, s28, s20, $0xb8;
	[tilespmem:$0x1E400] =	vst v63  }
0x4c: {  	_ =	swait.ge [sflag:s22], $0x4000  }
0x4d: {  	[sflag:s22] =	ssyncset.done $0x0  }
0x4e: {  	s7 =	simm.s32 $0x1500;
	[sflag:s22] =	ssyncadd.s32 $0xFFFFC000  }
0x4f: {  	[spmem:s1] =	stream.indirect.scatter.add.f32 [tilespmem:s21], [sflag:$0x3], $0x80, s7, s20, $0xb8;
	[tilespmem:$0x1E400] =	vst v63  }
0x50: {  	_ =	swait.ge [sflag:s29], $0x4000  }
0x51: {  	[sflag:s29] =	ssyncset.done $0x0  }
0x52: {  	s8 =	simm.s32 $0x180;
	[sflag:s29] =	ssyncadd.s32 $0xFFFFC000  }
0x53: {  	[tilespmem:s23], [sflag:$0x2] =	stream.indirect.gather [hbm4b:s4+s20], $0x80, s8, s20, $0xb8;
	[tilespmem:$0x1E400] =	vst v63  }
0x54: {  	_ =	swait.ge [sflag:s24], $0x4000  }
0x55: {  	[sflag:s24] =	ssyncset.done $0x0  }
0x56: {  	s9 =	simm.s32 $0x200;
	[sflag:s24] =	ssyncadd.s32 $0xFFFFC000  }
0x57: {  	[tilespmem:s21], [sflag:$0x1] =	stream.indirect.gather [hbm4b:s4+s20], $0x80, s9, s20, $0xb8;
	[tilespmem:$0x1E400] =	vst v63  }
0x58: {  	_ =	swait.ge [sflag:s26], $0x4000  }
0x59: {  	[sflag:s26] =	ssyncset.done $0x0  }
0x5a: {  	s7 =	simm.s32 $0xFFFFBC00;
	s8 =	simm.s32 $0x1580;
	[sflag:s26] =	ssyncadd.s32 $0xFFFFC000  }
.LBB2_10:
0x5b: {  	[spmem:s1] =	stream.indirect.scatter.add.f32 [tilespmem:s23], [sflag:$0x4], $0x80, s8, s20, $0xb8;
	[tilespmem:$0x1E400] =	vst v63  }
0x5c: {  	s8 =	smov.u32 s7  }
0x5d: {  	p1 =	sne.s32 s7, $0xFFFFFC00;
	s7 =	sadd.s32 $0x400, s7;
	_ =	swait.ge [sflag:s22], $0x4000  }
0x5e: {  	s8 =	sshra.s32 s8, $0x2;
	[sflag:s22] =	ssyncset.done $0x0  }
0x5f: {  	s9 =	sadd.s32 $0x2700, s8;
	[sflag:s22] =	ssyncadd.s32 $0xFFFFC000  }
0x60: {  	[spmem:s1] =	stream.indirect.scatter.add.f32 [tilespmem:s21], [sflag:$0x3], $0x80, s9, s20, $0xb8;
	[tilespmem:$0x1E400] =	vst v63  }
0x61: {  	_ =	swait.ge [sflag:s29], $0x4000  }
0x62: {  	[sflag:s29] =	ssyncset.done $0x0  }
0x63: {  	s9 =	sadd.s32 $0x1380, s8;
	[sflag:s29] =	ssyncadd.s32 $0xFFFFC000  }
0x64: {  	[tilespmem:s23], [sflag:$0x2] =	stream.indirect.gather [hbm4b:s4+s20], $0x80, s9, s20, $0xb8;
	[tilespmem:$0x1E400] =	vst v63  }
0x65: {  	_ =	swait.ge [sflag:s24], $0x4000  }
0x66: {  	[sflag:s24] =	ssyncset.done $0x0  }
.Ltmp3:
0x67: {  	s9 =	sadd.s32 $0x1400, s8;
	[sflag:s24] =	ssyncadd.s32 $0xFFFFC000;
	(pc) =	sbr.rel @p1 .LBB2_10-.Ltmp3, $4  }
0x68: {  	[tilespmem:s21], [sflag:$0x1] =	stream.indirect.gather [hbm4b:s4+s20], $0x80, s9, s20, $0xb8;
	[tilespmem:$0x1E400] =	vst v63  }
0x69: {  	_ =	swait.ge [sflag:s26], $0x4000  }
0x6a: {  	[sflag:s26] =	ssyncset.done $0x0  }
0x6b: {  	s8 =	sadd.s32 $0x2780, s8;
	[sflag:s26] =	ssyncadd.s32 $0xFFFFC000  }
.Ltmp4:
0x6c: {  	_ = 	snop;
	(pc) =	sbr.rel .LBB2_11-.Ltmp4, $1  }
0x6d: {  	_ =	sdelay $0x3  }
.LBB2_2:
0x6e: {  	s7 =	rddreg [dreg:$0x4]  }
0x6f: {  	[tilespmem:s3], [sflag:$0x5] =	stream.linear.gather [hbm4b:s7+s3], $0x1400, $0x38;
	[tilespmem:$0x1E400] =	vst v63  }
0x70: {  	_ =	swait.ge [sflag:s18], $0x1400  }
0x71: {  	[sflag:s18] =	ssyncset.done $0x0  }
0x72: {  	s8 =	rddreg [dreg:$0x5];
	[sflag:s18] =	ssyncadd.s32 $0xFFFFEC00  }
0x73: {  	[tilespmem:s19], [sflag:$0x5] =	stream.linear.gather [hbm4b:s8+s3], $0x1400, $0x38;
	[tilespmem:$0x1E400] =	vst v63  }
0x74: {  	_ =	swait.ge [sflag:s18], $0x1400  }
0x75: {  	[sflag:s18] =	ssyncset.done $0x0  }
0x76: {  	[sflag:s18] =	ssyncadd.s32 $0xFFFFEC00  }
0x77: {  	[tilespmem:s21], [sflag:$0x1] =	stream.indirect.gather [hbm4b:s4+s20], $0x80, s3, s20, $0xb8;
	[tilespmem:$0x1E400] =	vst v63  }
0x78: {  	_ =	swait.ge [sflag:s22], $0x4000  }
0x79: {  	[sflag:s22] =	ssyncset.done $0x0  }
0x7a: {  	[sflag:s22] =	ssyncadd.s32 $0xFFFFC000  }
0x7b: {  	[spmem:s1] =	stream.indirect.scatter.add.f32 [tilespmem:s21], [sflag:$0x3], $0x80, s19, s20, $0xb8;
	[tilespmem:$0x1E400] =	vst v63  }
0x7c: {  	_ = 	snop  }
0x7d: {  	[tilespmem:s23], [sflag:$0x2] =	stream.indirect.gather [hbm4b:s4+s20], $0x80, s20, s20, $0xb8;
	[tilespmem:$0x1E400] =	vst v63  }
0x7e: {  	_ =	swait.ge [sflag:s24], $0x4000  }
0x7f: {  	[sflag:s24] =	ssyncset.done $0x0  }
0x80: {  	[sflag:s24] =	ssyncadd.s32 $0xFFFFC000  }
0x81: {  	[tilespmem:s21], [sflag:$0x1] =	stream.indirect.gather [hbm4b:s4+s20], $0x80, s25, s20, $0xb8;
	[tilespmem:$0x1E400] =	vst v63  }
0x82: {  	_ =	swait.ge [sflag:s26], $0x4000  }
0x83: {  	[sflag:s26] =	ssyncset.done $0x0  }
0x84: {  	[sflag:s26] =	ssyncadd.s32 $0xFFFFC000  }
0x85: {  	[spmem:s1] =	stream.indirect.scatter.add.f32 [tilespmem:s23], [sflag:$0x4], $0x80, s28, s20, $0xb8;
	[tilespmem:$0x1E400] =	vst v63  }
0x86: {  	_ =	swait.ge [sflag:s22], $0x4000  }
0x87: {  	[sflag:s22] =	ssyncset.done $0x0  }
0x88: {  	s9 =	simm.s32 $0x1500;
	[sflag:s22] =	ssyncadd.s32 $0xFFFFC000  }
0x89: {  	[spmem:s1] =	stream.indirect.scatter.add.f32 [tilespmem:s21], [sflag:$0x3], $0x80, s9, s20, $0xb8;
	[tilespmem:$0x1E400] =	vst v63  }
0x8a: {  	_ =	swait.ge [sflag:s29], $0x4000  }
0x8b: {  	[sflag:s29] =	ssyncset.done $0x0  }
0x8c: {  	s8 =	simm.s32 $0x180;
	[sflag:s29] =	ssyncadd.s32 $0xFFFFC000  }
0x8d: {  	[tilespmem:s23], [sflag:$0x2] =	stream.indirect.gather [hbm4b:s4+s20], $0x80, s8, s20, $0xb8;
	[tilespmem:$0x1E400] =	vst v63  }
0x8e: {  	_ =	swait.ge [sflag:s24], $0x4000  }
0x8f: {  	[sflag:s24] =	ssyncset.done $0x0  }
0x90: {  	s9 =	simm.s32 $0x200;
	[sflag:s24] =	ssyncadd.s32 $0xFFFFC000  }
0x91: {  	[tilespmem:s21], [sflag:$0x1] =	stream.indirect.gather [hbm4b:s4+s20], $0x80, s9, s20, $0xb8;
	[tilespmem:$0x1E400] =	vst v63  }
0x92: {  	_ =	swait.ge [sflag:s26], $0x4000  }
0x93: {  	[sflag:s26] =	ssyncset.done $0x0  }
0x94: {  	s7 =	simm.s32 $0xFFFFBC00;
	s8 =	simm.s32 $0x1580;
	[sflag:s26] =	ssyncadd.s32 $0xFFFFC000  }
.LBB2_3:
0x95: {  	[spmem:s1] =	stream.indirect.scatter.add.f32 [tilespmem:s23], [sflag:$0x4], $0x80, s8, s20, $0xb8;
	[tilespmem:$0x1E400] =	vst v63  }
0x96: {  	s8 =	smov.u32 s7  }
0x97: {  	p1 =	sne.s32 s7, $0xFFFFFC00;
	s7 =	sadd.s32 $0x400, s7;
	_ =	swait.ge [sflag:s22], $0x4000  }
0x98: {  	s8 =	sshra.s32 s8, $0x2;
	[sflag:s22] =	ssyncset.done $0x0  }
0x99: {  	s9 =	sadd.s32 $0x2700, s8;
	[sflag:s22] =	ssyncadd.s32 $0xFFFFC000  }
0x9a: {  	[spmem:s1] =	stream.indirect.scatter.add.f32 [tilespmem:s21], [sflag:$0x3], $0x80, s9, s20, $0xb8;
	[tilespmem:$0x1E400] =	vst v63  }
0x9b: {  	_ =	swait.ge [sflag:s29], $0x4000  }
0x9c: {  	[sflag:s29] =	ssyncset.done $0x0  }
0x9d: {  	s9 =	sadd.s32 $0x1380, s8;
	[sflag:s29] =	ssyncadd.s32 $0xFFFFC000  }
0x9e: {  	[tilespmem:s23], [sflag:$0x2] =	stream.indirect.gather [hbm4b:s4+s20], $0x80, s9, s20, $0xb8;
	[tilespmem:$0x1E400] =	vst v63  }
0x9f: {  	_ =	swait.ge [sflag:s24], $0x4000  }
0xa0: {  	[sflag:s24] =	ssyncset.done $0x0  }
.Ltmp5:
0xa1: {  	s9 =	sadd.s32 $0x1400, s8;
	[sflag:s24] =	ssyncadd.s32 $0xFFFFC000;
	(pc) =	sbr.rel @p1 .LBB2_3-.Ltmp5, $4  }
0xa2: {  	[tilespmem:s21], [sflag:$0x1] =	stream.indirect.gather [hbm4b:s4+s20], $0x80, s9, s20, $0xb8;
	[tilespmem:$0x1E400] =	vst v63  }
0xa3: {  	_ =	swait.ge [sflag:s26], $0x4000  }
0xa4: {  	[sflag:s26] =	ssyncset.done $0x0  }
0xa5: {  	s8 =	sadd.s32 $0x2780, s8;
	[sflag:s26] =	ssyncadd.s32 $0xFFFFC000  }
0xa6: {  	[spmem:s1] =	stream.indirect.scatter.add.f32 [tilespmem:s23], [sflag:$0x4], $0x80, s8, s20, $0xb8;
	[tilespmem:$0x1E400] =	vst v63  }
0xa7: {  	_ =	swait.ge [sflag:s22], $0x4000  }
0xa8: {  	[sflag:s22] =	ssyncset.done $0x0  }
0xa9: {  	[sflag:s22] =	ssyncadd.s32 $0xFFFFC000  }
0xaa: {  	[spmem:s1] =	stream.indirect.scatter.add.f32 [tilespmem:s21], [sflag:$0x3], $0x80, s30, s20, $0xb8;
	[tilespmem:$0x1E400] =	vst v63  }
0xab: {  	_ =	swait.ge [sflag:s29], $0x4000  }
0xac: {  	[sflag:s29] =	ssyncset.done $0x0  }
0xad: {  	[sflag:s29] =	ssyncadd.s32 $0xFFFFC000  }
0xae: {  	[tilespmem:s23], [sflag:$0x2] =	stream.indirect.gather [hbm4b:s4+s20], $0x80, s31, s20, $0xb8;
	[tilespmem:$0x1E400] =	vst v63  }
0xaf: {  	_ =	swait.ge [sflag:s24], $0x4000  }
0xb0: {  	[sflag:s24] =	ssyncset.done $0x0  }
0xb1: {  	[sflag:s24] =	ssyncadd.s32 $0xFFFFC000  }
0xb2: {  	_ =	swait.ge [sflag:s26], $0x4000  }
0xb3: {  	[sflag:s26] =	ssyncset.done $0x0  }
0xb4: {  	[sflag:s26] =	ssyncadd.s32 $0xFFFFC000  }
0xb5: {  	[spmem:s1] =	stream.indirect.scatter.add.f32 [tilespmem:s23], [sflag:$0x4], $0x80, s0, s20, $0xb8;
	[tilespmem:$0x1E400] =	vst v63  }
0xb6: {  	_ =	swait.ge [sflag:s29], $0x4000  }
0xb7: {  	[sflag:s29] =	ssyncset.done $0x0  }
0xb8: {  	s7 =	rddreg [dreg:$0x6];
	[sflag:s29] =	ssyncadd.s32 $0xFFFFC000  }
0xb9: {  	[tilespmem:s3], [sflag:$0x5] =	stream.linear.gather [hbm4b:s7+s3], $0x1400, $0x38;
	[tilespmem:$0x1E400] =	vst v63  }
0xba: {  	_ =	swait.ge [sflag:s18], $0x1400  }
0xbb: {  	[sflag:s18] =	ssyncset.done $0x0  }
0xbc: {  	[sflag:s18] =	ssyncadd.s32 $0xFFFFEC00  }
0xbd: {  	[tilespmem:s19], [sflag:$0x5] =	stream.linear.gather [hbm4b:s10+s3], $0x1400, $0x38;
	[tilespmem:$0x1E400] =	vst v63  }
0xbe: {  	_ =	swait.ge [sflag:s18], $0x1400  }
0xbf: {  	[sflag:s18] =	ssyncset.done $0x0  }
0xc0: {  	[sflag:s18] =	ssyncadd.s32 $0xFFFFEC00  }
0xc1: {  	[tilespmem:s21], [sflag:$0x1] =	stream.indirect.gather [hbm4b:s4+s20], $0x80, s3, s20, $0xb8;
	[tilespmem:$0x1E400] =	vst v63  }
0xc2: {  	_ =	swait.ge [sflag:s22], $0x4000  }
0xc3: {  	[sflag:s22] =	ssyncset.done $0x0  }
0xc4: {  	[sflag:s22] =	ssyncadd.s32 $0xFFFFC000  }
0xc5: {  	[spmem:s1] =	stream.indirect.scatter.add.f32 [tilespmem:s21], [sflag:$0x3], $0x80, s19, s20, $0xb8;
	[tilespmem:$0x1E400] =	vst v63  }
0xc6: {  	_ = 	snop  }
0xc7: {  	[tilespmem:s23], [sflag:$0x2] =	stream.indirect.gather [hbm4b:s4+s20], $0x80, s20, s20, $0xb8;
	[tilespmem:$0x1E400] =	vst v63  }
0xc8: {  	_ =	swait.ge [sflag:s24], $0x4000  }
0xc9: {  	[sflag:s24] =	ssyncset.done $0x0  }
0xca: {  	[sflag:s24] =	ssyncadd.s32 $0xFFFFC000  }
0xcb: {  	[tilespmem:s21], [sflag:$0x1] =	stream.indirect.gather [hbm4b:s4+s20], $0x80, s25, s20, $0xb8;
	[tilespmem:$0x1E400] =	vst v63  }
0xcc: {  	_ =	swait.ge [sflag:s26], $0x4000  }
0xcd: {  	[sflag:s26] =	ssyncset.done $0x0  }
0xce: {  	[sflag:s26] =	ssyncadd.s32 $0xFFFFC000  }
0xcf: {  	[spmem:s1] =	stream.indirect.scatter.add.f32 [tilespmem:s23], [sflag:$0x4], $0x80, s28, s20, $0xb8;
	[tilespmem:$0x1E400] =	vst v63  }
0xd0: {  	_ =	swait.ge [sflag:s22], $0x4000  }
0xd1: {  	[sflag:s22] =	ssyncset.done $0x0  }
0xd2: {  	s9 =	simm.s32 $0x1500;
	[sflag:s22] =	ssyncadd.s32 $0xFFFFC000  }
0xd3: {  	[spmem:s1] =	stream.indirect.scatter.add.f32 [tilespmem:s21], [sflag:$0x3], $0x80, s9, s20, $0xb8;
	[tilespmem:$0x1E400] =	vst v63  }
0xd4: {  	_ =	swait.ge [sflag:s29], $0x4000  }
0xd5: {  	[sflag:s29] =	ssyncset.done $0x0  }
0xd6: {  	s8 =	simm.s32 $0x180;
	[sflag:s29] =	ssyncadd.s32 $0xFFFFC000  }
0xd7: {  	[tilespmem:s23], [sflag:$0x2] =	stream.indirect.gather [hbm4b:s4+s20], $0x80, s8, s20, $0xb8;
	[tilespmem:$0x1E400] =	vst v63  }
0xd8: {  	_ =	swait.ge [sflag:s24], $0x4000  }
0xd9: {  	[sflag:s24] =	ssyncset.done $0x0  }
0xda: {  	s9 =	simm.s32 $0x200;
	[sflag:s24] =	ssyncadd.s32 $0xFFFFC000  }
0xdb: {  	[tilespmem:s21], [sflag:$0x1] =	stream.indirect.gather [hbm4b:s4+s20], $0x80, s9, s20, $0xb8;
	[tilespmem:$0x1E400] =	vst v63  }
0xdc: {  	_ =	swait.ge [sflag:s26], $0x4000  }
0xdd: {  	[sflag:s26] =	ssyncset.done $0x0  }
0xde: {  	s7 =	simm.s32 $0xFFFFBC00;
	s8 =	simm.s32 $0x1580;
	[sflag:s26] =	ssyncadd.s32 $0xFFFFC000  }
.LBB2_5:
0xdf: {  	[spmem:s1] =	stream.indirect.scatter.add.f32 [tilespmem:s23], [sflag:$0x4], $0x80, s8, s20, $0xb8;
	[tilespmem:$0x1E400] =	vst v63  }
0xe0: {  	s8 =	smov.u32 s7  }
0xe1: {  	p1 =	sne.s32 s7, $0xFFFFFC00;
	s7 =	sadd.s32 $0x400, s7;
	_ =	swait.ge [sflag:s22], $0x4000  }
0xe2: {  	s8 =	sshra.s32 s8, $0x2;
	[sflag:s22] =	ssyncset.done $0x0  }
0xe3: {  	s9 =	sadd.s32 $0x2700, s8;
	[sflag:s22] =	ssyncadd.s32 $0xFFFFC000  }
0xe4: {  	[spmem:s1] =	stream.indirect.scatter.add.f32 [tilespmem:s21], [sflag:$0x3], $0x80, s9, s20, $0xb8;
	[tilespmem:$0x1E400] =	vst v63  }
0xe5: {  	_ =	swait.ge [sflag:s29], $0x4000  }
0xe6: {  	[sflag:s29] =	ssyncset.done $0x0  }
0xe7: {  	s9 =	sadd.s32 $0x1380, s8;
	[sflag:s29] =	ssyncadd.s32 $0xFFFFC000  }
0xe8: {  	[tilespmem:s23], [sflag:$0x2] =	stream.indirect.gather [hbm4b:s4+s20], $0x80, s9, s20, $0xb8;
	[tilespmem:$0x1E400] =	vst v63  }
0xe9: {  	_ =	swait.ge [sflag:s24], $0x4000  }
0xea: {  	[sflag:s24] =	ssyncset.done $0x0  }
.Ltmp6:
0xeb: {  	s9 =	sadd.s32 $0x1400, s8;
	[sflag:s24] =	ssyncadd.s32 $0xFFFFC000;
	(pc) =	sbr.rel @p1 .LBB2_5-.Ltmp6, $4  }
0xec: {  	[tilespmem:s21], [sflag:$0x1] =	stream.indirect.gather [hbm4b:s4+s20], $0x80, s9, s20, $0xb8;
	[tilespmem:$0x1E400] =	vst v63  }
0xed: {  	_ =	swait.ge [sflag:s26], $0x4000  }
0xee: {  	[sflag:s26] =	ssyncset.done $0x0  }
0xef: {  	s8 =	sadd.s32 $0x2780, s8;
	[sflag:s26] =	ssyncadd.s32 $0xFFFFC000  }
0xf0: {  	[spmem:s1] =	stream.indirect.scatter.add.f32 [tilespmem:s23], [sflag:$0x4], $0x80, s8, s20, $0xb8;
	[tilespmem:$0x1E400] =	vst v63  }
0xf1: {  	_ =	swait.ge [sflag:s22], $0x4000  }
0xf2: {  	[sflag:s22] =	ssyncset.done $0x0  }
0xf3: {  	[sflag:s22] =	ssyncadd.s32 $0xFFFFC000  }
0xf4: {  	[spmem:s1] =	stream.indirect.scatter.add.f32 [tilespmem:s21], [sflag:$0x3], $0x80, s30, s20, $0xb8;
	[tilespmem:$0x1E400] =	vst v63  }
0xf5: {  	_ =	swait.ge [sflag:s29], $0x4000  }
0xf6: {  	[sflag:s29] =	ssyncset.done $0x0  }
0xf7: {  	[sflag:s29] =	ssyncadd.s32 $0xFFFFC000  }
0xf8: {  	[tilespmem:s23], [sflag:$0x2] =	stream.indirect.gather [hbm4b:s4+s20], $0x80, s31, s20, $0xb8;
	[tilespmem:$0x1E400] =	vst v63  }
0xf9: {  	_ =	swait.ge [sflag:s24], $0x4000  }
0xfa: {  	[sflag:s24] =	ssyncset.done $0x0  }
0xfb: {  	[sflag:s24] =	ssyncadd.s32 $0xFFFFC000  }
0xfc: {  	_ =	swait.ge [sflag:s26], $0x4000  }
0xfd: {  	[sflag:s26] =	ssyncset.done $0x0  }
0xfe: {  	[sflag:s26] =	ssyncadd.s32 $0xFFFFC000  }
0xff: {  	[spmem:s1] =	stream.indirect.scatter.add.f32 [tilespmem:s23], [sflag:$0x4], $0x80, s0, s20, $0xb8;
	[tilespmem:$0x1E400] =	vst v63  }
0x100: {  	_ =	swait.ge [sflag:s29], $0x4000  }
0x101: {  	[sflag:s29] =	ssyncset.done $0x0  }
0x102: {  	[sflag:s29] =	ssyncadd.s32 $0xFFFFC000  }
0x103: {  	[tilespmem:s3], [sflag:$0x5] =	stream.linear.gather [hbm4b:s11+s3], $0x1400, $0x38;
	[tilespmem:$0x1E400] =	vst v63  }
0x104: {  	_ =	swait.ge [sflag:s18], $0x1400  }
0x105: {  	[sflag:s18] =	ssyncset.done $0x0  }
0x106: {  	[sflag:s18] =	ssyncadd.s32 $0xFFFFEC00  }
0x107: {  	[tilespmem:s19], [sflag:$0x5] =	stream.linear.gather [hbm4b:s12+s3], $0x1400, $0x38;
	[tilespmem:$0x1E400] =	vst v63  }
0x108: {  	_ =	swait.ge [sflag:s18], $0x1400  }
0x109: {  	[sflag:s18] =	ssyncset.done $0x0  }
0x10a: {  	[sflag:s18] =	ssyncadd.s32 $0xFFFFEC00  }
0x10b: {  	[tilespmem:s21], [sflag:$0x1] =	stream.indirect.gather [hbm4b:s4+s20], $0x80, s3, s20, $0xb8;
	[tilespmem:$0x1E400] =	vst v63  }
0x10c: {  	_ =	swait.ge [sflag:s22], $0x4000  }
0x10d: {  	[sflag:s22] =	ssyncset.done $0x0  }
0x10e: {  	[sflag:s22] =	ssyncadd.s32 $0xFFFFC000  }
0x10f: {  	[spmem:s1] =	stream.indirect.scatter.add.f32 [tilespmem:s21], [sflag:$0x3], $0x80, s19, s20, $0xb8;
	[tilespmem:$0x1E400] =	vst v63  }
0x110: {  	_ = 	snop  }
0x111: {  	[tilespmem:s23], [sflag:$0x2] =	stream.indirect.gather [hbm4b:s4+s20], $0x80, s20, s20, $0xb8;
	[tilespmem:$0x1E400] =	vst v63  }
0x112: {  	_ =	swait.ge [sflag:s24], $0x4000  }
0x113: {  	[sflag:s24] =	ssyncset.done $0x0  }
0x114: {  	[sflag:s24] =	ssyncadd.s32 $0xFFFFC000  }
0x115: {  	[tilespmem:s21], [sflag:$0x1] =	stream.indirect.gather [hbm4b:s4+s20], $0x80, s25, s20, $0xb8;
	[tilespmem:$0x1E400] =	vst v63  }
0x116: {  	_ =	swait.ge [sflag:s26], $0x4000  }
0x117: {  	[sflag:s26] =	ssyncset.done $0x0  }
0x118: {  	[sflag:s26] =	ssyncadd.s32 $0xFFFFC000  }
0x119: {  	[spmem:s1] =	stream.indirect.scatter.add.f32 [tilespmem:s23], [sflag:$0x4], $0x80, s28, s20, $0xb8;
	[tilespmem:$0x1E400] =	vst v63  }
0x11a: {  	_ =	swait.ge [sflag:s22], $0x4000  }
0x11b: {  	[sflag:s22] =	ssyncset.done $0x0  }
0x11c: {  	s7 =	simm.s32 $0x1500;
	[sflag:s22] =	ssyncadd.s32 $0xFFFFC000  }
0x11d: {  	[spmem:s1] =	stream.indirect.scatter.add.f32 [tilespmem:s21], [sflag:$0x3], $0x80, s7, s20, $0xb8;
	[tilespmem:$0x1E400] =	vst v63  }
0x11e: {  	_ =	swait.ge [sflag:s29], $0x4000  }
0x11f: {  	[sflag:s29] =	ssyncset.done $0x0  }
0x120: {  	s8 =	simm.s32 $0x180;
	[sflag:s29] =	ssyncadd.s32 $0xFFFFC000  }
0x121: {  	[tilespmem:s23], [sflag:$0x2] =	stream.indirect.gather [hbm4b:s4+s20], $0x80, s8, s20, $0xb8;
	[tilespmem:$0x1E400] =	vst v63  }
0x122: {  	_ =	swait.ge [sflag:s24], $0x4000  }
0x123: {  	[sflag:s24] =	ssyncset.done $0x0  }
0x124: {  	s9 =	simm.s32 $0x200;
	[sflag:s24] =	ssyncadd.s32 $0xFFFFC000  }
0x125: {  	[tilespmem:s21], [sflag:$0x1] =	stream.indirect.gather [hbm4b:s4+s20], $0x80, s9, s20, $0xb8;
	[tilespmem:$0x1E400] =	vst v63  }
0x126: {  	_ =	swait.ge [sflag:s26], $0x4000  }
0x127: {  	[sflag:s26] =	ssyncset.done $0x0  }
0x128: {  	s7 =	simm.s32 $0xFFFFBC00;
	s8 =	simm.s32 $0x1580;
	[sflag:s26] =	ssyncadd.s32 $0xFFFFC000  }
.LBB2_7:
0x129: {  	[spmem:s1] =	stream.indirect.scatter.add.f32 [tilespmem:s23], [sflag:$0x4], $0x80, s8, s20, $0xb8;
	[tilespmem:$0x1E400] =	vst v63  }
0x12a: {  	s8 =	smov.u32 s7  }
0x12b: {  	p1 =	seq.s32 s7, $0xFFFFFC00;
	s7 =	sadd.s32 $0x400, s7;
	_ =	swait.ge [sflag:s22], $0x4000  }
0x12c: {  	s8 =	sshra.s32 s8, $0x2;
	[sflag:s22] =	ssyncset.done $0x0  }
0x12d: {  	s9 =	sadd.s32 $0x2700, s8;
	[sflag:s22] =	ssyncadd.s32 $0xFFFFC000  }
0x12e: {  	[spmem:s1] =	stream.indirect.scatter.add.f32 [tilespmem:s21], [sflag:$0x3], $0x80, s9, s20, $0xb8;
	[tilespmem:$0x1E400] =	vst v63  }
0x12f: {  	_ =	swait.ge [sflag:s29], $0x4000  }
0x130: {  	[sflag:s29] =	ssyncset.done $0x0  }
0x131: {  	s9 =	sadd.s32 $0x1380, s8;
	[sflag:s29] =	ssyncadd.s32 $0xFFFFC000  }
0x132: {  	[tilespmem:s23], [sflag:$0x2] =	stream.indirect.gather [hbm4b:s4+s20], $0x80, s9, s20, $0xb8;
	[tilespmem:$0x1E400] =	vst v63  }
0x133: {  	_ =	swait.ge [sflag:s24], $0x4000  }
0x134: {  	[sflag:s24] =	ssyncset.done $0x0  }
.Ltmp7:
0x135: {  	s9 =	sadd.s32 $0x1400, s8;
	[sflag:s24] =	ssyncadd.s32 $0xFFFFC000;
	(pc) =	sbr.rel @!p1 .LBB2_7-.Ltmp7, $4  }
0x136: {  	[tilespmem:s21], [sflag:$0x1] =	stream.indirect.gather [hbm4b:s4+s20], $0x80, s9, s20, $0xb8;
	[tilespmem:$0x1E400] =	vst v63  }
0x137: {  	_ =	swait.ge [sflag:s26], $0x4000  }
0x138: {  	[sflag:s26] =	ssyncset.done $0x0  }
0x139: {  	s8 =	sadd.s32 $0x2780, s8;
	[sflag:s26] =	ssyncadd.s32 $0xFFFFC000  }
0x13a: {  	[spmem:s1] =	stream.indirect.scatter.add.f32 [tilespmem:s23], [sflag:$0x4], $0x80, s8, s20, $0xb8;
	[tilespmem:$0x1E400] =	vst v63  }
0x13b: {  	_ =	swait.ge [sflag:s22], $0x4000  }
0x13c: {  	[sflag:s22] =	ssyncset.done $0x0  }
0x13d: {  	[sflag:s22] =	ssyncadd.s32 $0xFFFFC000  }
0x13e: {  	[spmem:s1] =	stream.indirect.scatter.add.f32 [tilespmem:s21], [sflag:$0x3], $0x80, s30, s20, $0xb8;
	[tilespmem:$0x1E400] =	vst v63  }
0x13f: {  	_ =	swait.ge [sflag:s29], $0x4000  }
0x140: {  	[sflag:s29] =	ssyncset.done $0x0  }
0x141: {  	[sflag:s29] =	ssyncadd.s32 $0xFFFFC000  }
0x142: {  	[tilespmem:s23], [sflag:$0x2] =	stream.indirect.gather [hbm4b:s4+s20], $0x80, s31, s20, $0xb8;
	[tilespmem:$0x1E400] =	vst v63  }
0x143: {  	_ =	swait.ge [sflag:s24], $0x4000  }
0x144: {  	[sflag:s24] =	ssyncset.done $0x0  }
.Ltmp8:
0x145: {  	[sflag:s24] =	ssyncadd.s32 $0xFFFFC000;
	(pc) =	sbr.rel .LBB2_12-.Ltmp8, $4  }
0x146: {  	_ =	swait.ge [sflag:s26], $0x4000  }
0x147: {  	[sflag:s26] =	ssyncset.done $0x0  }
0x148: {  	[sflag:s26] =	ssyncadd.s32 $0xFFFFC000  }
0x149: {  	[spmem:s1] =	stream.indirect.scatter.add.f32 [tilespmem:s23], [sflag:$0x4], $0x80, s0, s20, $0xb8;
	[tilespmem:$0x1E400] =	vst v63  }
.LBB2_13:
0x14a: {  	_ =	sfence.sel $0x180000  }
0x14b: {  	[bflag:$0x0] =	sbarrier.arrive $0xFFFF  }
0x14c: {  	_ =	strace $0x9000004A  }
0x14d: {  	s0 =	stileid.u32;
	[bflag:$0x2] =	sbarrier.arrive $0xFFFF  }
0x14e: {  	p0 =	sne.s32 s0, $0x0;
	s0 =	rddreg [dreg:$0x3]  }
0x14f: {  	s0 =	sadd.s32 @!p0 $0x100000, s0  }
0x150: {  	[sflag:s0] =	ssyncadd.tile.s32 @!p0 $0x1;
	_ =	shalt  }
.Lfunc_end2:
_tile_overlayer_lowered:
.L_overlay_start_2:
0x151: {  	(tag) =	ssettag $0x2  }
0x152: {  	s0 =	rddreg [dreg:$0x0];
	s2 =	stileid.u32  }
0x153: {  	s1 =	rddreg [dreg:$0x1];
	p0 =	sne.s32 s2, $0x0  }
0x154: {  	s3 =	rddreg [dreg:$0x2];
	[bflag:$0x3] =	sbarrier.arrive $0xFFFF;
	s2 =	simm.s32 @!p0 $0x1C05  }
0x155: {  	[timem:s3], [sflag:s2] =	dma.local @!p0 [hbm:s0], s1  }
0x156: {  	s0 =	simm.s32 @!p0 $0x5  }
0x157: {  	_ =	swait.ge @!p0 [sflag:s0], s1  }
0x158: {  	s1 =	ssub.s32 @!p0 $0x0, s1;
	[sflag:s0] =	ssyncset.done @!p0 $0x0  }
0x159: {  	[sflag:s0] =	ssyncadd.s32 @!p0 s1  }
0x15a: {  	[bflag:$0x3] =	sbarrier.arrive $0xFFFF  }
0x15b: {  	_ =	shalt  }

// kernel: kernel.7.cloned.1.call-start
scs
__scs_entry_jumppad:
0x0: {  	(pc) =	sbr.rel $0x88, $3  }
0x1: {  	(tag) =	ssettag $0x0;
	lr =	simm.s32 $0x1  }
0x2: {  	[smem:$0x3F9B] =	sst lr;
	_ =	strace $0xD0000000  }
0x3: {  	_ = 	snop  }
0x4: {  	_ = 	snop  }
0x5: {  	_ = 	snop  }
0x6: {  	_ = 	snop  }
0x7: {  	_ = 	snop  }
__scs_overlays_trampoline_lowered:
0x8: {  	[smem:$0x3FAA] =	sst s0  }
0x9: {  	[smem:$0x3FAB] =	sst s1  }
0xa: {  	[smem:$0x3FAC] =	sst s2  }
0xb: {  	[smem:$0x3FAD] =	sst s3  }
0xc: {  	[smem:$0x3FAE] =	sst s4  }
0xd: {  	[smem:$0x3FAF] =	sst s5  }
0xe: {  	[smem:$0x3FB0] =	sst s6  }
0xf: {  	[smem:$0x3FB1] =	sst s7  }
0x10: {  	[smem:$0x3FB2] =	sst s8  }
0x11: {  	[smem:$0x3FB3] =	sst s9;
	s0 =	simm.s32 @!p0 $0x0  }
0x12: {  	s1 =	sld [smem:$0x3F99];
	s0 =	simm.s32 @p0 $0x1  }
0x13: {  	[smem:$0x3FB4] =	sst s0;
	s0 =	simm.s32 @!p1 $0x0  }
0x14: {  	s2 =	sld [smem:$0x3F98];
	s0 =	simm.s32 @p1 $0x1  }
0x15: {  	[smem:$0x3FB5] =	sst s0;
	s0 =	simm.s32 @!p2 $0x0  }
0x16: {  	s3 =	sld [smem:$0x3FDB];
	s0 =	simm.s32 @p2 $0x1  }
0x17: {  	s4 =	simm.s32 $0x1BF5;
	[smem:$0x3FB7] =	sst s0  }
0x18: {  	s0 =	sld [smem:$0x3F9A];
	_ =	swait.ge [sflag:s4], $0x0  }
0x19: {  	s7 =	sld [smem:$0x3F9B]  }
0x1a: {  	s8 =	sadd.s32 $0xFFFFE003, lr  }
0x1b: {  	s9 =	sadd.s32 $0xFFFFFEF7, lr;
	s5 =	simm.s32 $0xFFFFFFFF;
	p2 =	slt.u32 s8, $0xFFFFF086  }
0x1c: {  	p1 =	slt.u32 s9, $0xF7A;
	s5 =	simm.s32 @!p2 $0x0  }
0x1d: {  	s5 =	simm.s32 @p1 $0x1;
	p0 =	seq.s32 s7, s2  }
0x1e: {  	s7 =	smul.u32 @!p0 $0xF7A, s2;
	p2 =	seq.s32 @!p0 s5, $0x0  }
0x1f: {  	s9 =	smul.u32 $0xF7A, s1;
	s8 =	simm.s32 @!p0 $0x1BF5;
	p2 =	por !p2, p0  }
0x20: {  	[sflag:s8] =	ssyncset.s32 @!p0 $0xFFFFF086;
	s6 =	sadd.s32 @!p0 s3, s7;
	s7 =	simm.s32 @!p0 $0x108  }
0x21: {  	s3 =	sadd.s32 s3, s9;
	s6 =	sadd.s32 @!p0 $0x88, s6;
	s7 =	simm.s32 @p2 $0x1082  }
0x22: {  	[simem:s7], [sflag:s8] =	dma.local @!p0 [hbm:s6], $0xF7A  }
0x23: {  	s9 =	sor.u32 $0xD0000000, s2;
	s6 =	simm.s32 $0x108;
	_ =	swait.ge @!p0 [sflag:s8], $0x0  }
0x24: {  	s3 =	sadd.s32 $0x88, s3;
	s6 =	simm.s32 @!p1 $0x1082;
	[sflag:s4] =	ssyncset.s32 $0xFFFFF086  }
0x25: {  	[simem:s6], [sflag:s4] =	dma.local [hbm:s3], $0xF7A  }
0x26: {  	[smem:$0x3F9B] =	sst s1;
	(tag) =	ssettag s2;
	_ =	strace s9  }
0x27: {  	s1 =	sld [smem:$0x3FAB]  }
0x28: {  	s2 =	sld [smem:$0x3FAC]  }
0x29: {  	s4 =	sld [smem:$0x3FAE]  }
0x2a: {  	p0 =	seq.s32 s5, $0x0;
	s5 =	sld [smem:$0x3FAF]  }
0x2b: {  	s6 =	sld [smem:$0x3FB0]  }
0x2c: {  	s7 =	sld [smem:$0x3FB1]  }
0x2d: {  	s3 =	simm.s32 $0x108;
	s8 =	sld [smem:$0x3FB2]  }
0x2e: {  	s3 =	simm.s32 @!p0 $0x1082;
	s9 =	sld [smem:$0x3FB3]  }
0x2f: {  	lr =	sadd.s32 s0, s3;
	s0 =	sld [smem:$0x3FAA]  }
0x30: {  	s3 =	sld [smem:$0x3FAD]  }
0x31: {  	[smem:$0x3FB6] =	sst s10  }
0x32: {  	s10 =	sld [smem:$0x3FB4];
	_ =	sdelay $0x3  }
0x33: {  	p0 =	seq.s32 s10, $0x1;
	s10 =	sld [smem:$0x3FB6];
	_ =	sdelay $0x3  }
0x34: {  	[smem:$0x3FB6] =	sst s10  }
0x35: {  	s10 =	sld [smem:$0x3FB5];
	_ =	sdelay $0x3  }
0x36: {  	p1 =	seq.s32 s10, $0x1;
	s10 =	sld [smem:$0x3FB6];
	_ =	sdelay $0x3  }
0x37: {  	[smem:$0x3FB6] =	sst s10  }
0x38: {  	s10 =	sld [smem:$0x3FB7]  }
0x39: {  	_ = 	snop;
	(pc) =	sbr.ind lr, $3  }
0x3a: {  	_ = 	snop  }
0x3b: {  	_ = 	snop  }
0x3c: {  	p2 =	seq.s32 s10, $0x1;
	s10 =	sld [smem:$0x3FB6]  }
0x3d: {  	_ =	shalt  }
0x3e: {  	_ =	shalt  }
0x3f: {  	_ =	shalt  }
0x40: {  	_ =	shalt  }
0x41: {  	_ =	shalt  }
0x42: {  	_ =	shalt  }
0x43: {  	_ =	shalt  }
0x44: {  	_ =	shalt  }
0x45: {  	_ =	shalt  }
0x46: {  	_ =	shalt  }
0x47: {  	_ =	shalt  }
0x48: {  	_ =	shalt  }
0x49: {  	_ =	shalt  }
0x4a: {  	_ =	shalt  }
0x4b: {  	_ =	shalt  }
0x4c: {  	_ =	shalt  }
0x4d: {  	_ =	shalt  }
0x4e: {  	_ =	shalt  }
0x4f: {  	_ =	shalt  }
0x50: {  	_ =	shalt  }
0x51: {  	_ =	shalt  }
0x52: {  	_ =	shalt  }
0x53: {  	_ =	shalt  }
0x54: {  	_ =	shalt  }
0x55: {  	_ =	shalt  }
0x56: {  	_ =	shalt  }
0x57: {  	_ =	shalt  }
0x58: {  	_ =	shalt  }
0x59: {  	_ =	shalt  }
0x5a: {  	_ =	shalt  }
0x5b: {  	_ =	shalt  }
0x5c: {  	_ =	shalt  }
0x5d: {  	_ =	shalt  }
0x5e: {  	_ =	shalt  }
0x5f: {  	_ =	shalt  }
0x60: {  	_ =	shalt  }
0x61: {  	_ =	shalt  }
0x62: {  	_ =	shalt  }
0x63: {  	_ =	shalt  }
0x64: {  	_ =	shalt  }
0x65: {  	_ =	shalt  }
0x66: {  	_ =	shalt  }
0x67: {  	_ =	shalt  }
0x68: {  	_ =	shalt  }
0x69: {  	_ =	shalt  }
0x6a: {  	_ =	shalt  }
0x6b: {  	_ =	shalt  }
0x6c: {  	_ =	shalt  }
0x6d: {  	_ =	shalt  }
0x6e: {  	_ =	shalt  }
0x6f: {  	_ =	shalt  }
0x70: {  	_ =	shalt  }
0x71: {  	_ =	shalt  }
0x72: {  	_ =	shalt  }
0x73: {  	_ =	shalt  }
0x74: {  	_ =	shalt  }
0x75: {  	_ =	shalt  }
0x76: {  	_ =	shalt  }
0x77: {  	_ =	shalt  }
0x78: {  	_ =	shalt  }
0x79: {  	_ =	shalt  }
0x7a: {  	_ =	shalt  }
0x7b: {  	_ =	shalt  }
0x7c: {  	_ =	shalt  }
0x7d: {  	_ =	shalt  }
0x7e: {  	_ =	shalt  }
0x7f: {  	_ =	shalt  }
0x80: {  	_ =	shalt  }
0x81: {  	_ =	shalt  }
0x82: {  	_ =	shalt  }
0x83: {  	_ =	shalt  }
0x84: {  	_ =	shalt  }
0x85: {  	_ =	shalt  }
0x86: {  	_ =	shalt  }
0x87: {  	_ =	shalt  }
.Lfunc_end0:
.L_simem_size_0:
called_computation_lowered:
.L_overlay_start_0:
0x88: {  	s2 =	sld [smem:$0x3FD9]  }
0x89: {  	s3 =	sld [smem:$0x3FFE];
	_ =	sdelay $0x1  }
0x8a: {  	s1 =	srdreg.scid  }
0x8b: {  	s0 =	sand.u32 $0x1, s1  }
0x8c: {  	s16 =	sshll.u32 s0, $0xA;
	s2 =	sadd.s32 s3, s2  }
0x8d: {  	s2 =	sadd.s32 s2, s16  }
0x8e: {  	[smem:$0x3FC2] =	sst s2  }
0x8f: {  	_ = 	snop  }
0x90: {  	(tm) =	ssettm $0x1  }
0x91: {  	s17 =	sld [smem:$0x3FFB];
	_ =	sdelay $0x3  }
0x92: {  	_ =	strace s17  }
0x93: {  	s2 =	sld [smem:$0x3FFC];
	_ =	sdelay $0x3  }
0x94: {  	_ =	strace s2  }
0x95: {  	s2 =	sld [smem:$0x3FFD];
	_ =	sdelay $0x3  }
0x96: {  	_ =	strace s2  }
0x97: {  	_ =	strace $0x8FFFFFFF  }
0x98: {  	s18 =	sld [smem:$0x3FDB];
	_ =	sdelay $0x1  }
0x99: {  	s19 =	simm.s32 $_scs_section_size  }
0x9a: {  	s4 =	simm.s32 $_size__tile_overlayer_lowered;
	s5 =	simm.s32 $_tile_overlayer_lowered  }
0x9b: {  	s22 =	simm.s32 $0x1BFF;
	s21 =	sshll.u32 s5, $0x1;
	s2 =	sadd.s32 s19, s18  }
0x9c: {  	s6 =	simm.s32 $0x0;
	s20 =	sshll.u32 s4, $0x1;
	s4 =	sadd.s32 s21, s2  }
0x9d: {  	[timem:s6], [sflag:s22] =	dma.local [hbm:s4], s20  }
0x9e: {  	_ =	swait.ge [sflag:s22], s20  }
0x9f: {  	s3 =	ssub.s32 $0x0, s20;
	[sflag:s22] =	ssyncset.done $0x0  }
0xa0: {  	[sflag:s22] =	ssyncadd.s32 s3;
	_ =	sdelay $0x1  }
0xa1: {  	s23 =	simm.s32 $0x1B8B  }
0xa2: {  	_ =	swait.ge [sflag:s23], $0x1  }
0xa3: {  	[sflag:s23] =	ssyncset.done $0x0  }
0xa4: {  	s25 =	simm.s32 $0x1B8E;
	s24 =	sld [smem:$0x3FFE];
	[sflag:s23] =	ssyncadd.s32 $0xFFFFFFFF  }
0xa5: {  	s26 =	simm.s32 $execute0_lowered;
	[smem:$0x3FD2] =	sst s25  }
0xa6: {  	s4 =	sshll.u32 s26, $0x1;
	_ =	strace $0x80000046;
	[dreg:$0x1] =	wrdreg $0xFFFFFFFF  }
0xa7: {  	s28 =	simm.s32 $_size_execute0_lowered;
	s2 =	sadd.s32 s2, s4;
	[dreg:$0x0] =	wrdreg $0x0  }
0xa8: {  	s4 =	sshll.u32 s28, $0x1;
	[dreg:$0x2] =	wrdreg s2  }
0xa9: {  	[dreg:$0x3] =	wrdreg s4  }
0xaa: {  	[dreg:$0x4] =	wrdreg $0xC0  }
0xab: {  	_ =	task [dreg:s6], $0x5FFFF  }
0xac: {  	[dreg:$0x1] =	wrdreg $0xFFFFFFFF  }
0xad: {  	[dreg:$0x0] =	wrdreg $0x60  }
0xae: {  	[dreg:$0x2] =	wrdreg s24  }
0xaf: {  	[dreg:$0x3] =	wrdreg $0x9  }
0xb0: {  	_ =	task.clear_ibuf [dreg:s6], $0x4FFFF;
	_ =	strace $0x90000046  }
0xb1: {  	s29 =	simm.s32 $0x9;
	_ =	strace $0x80000048  }
0xb2: {  	_ =	swait.ge [sflag:s29], $0x1  }
0xb3: {  	[sflag:s29] =	ssyncadd.s32 $0xFFFFFFFF  }
0xb4: {  	_ =	strace $0x90000048  }
0xb5: {  	_ =	sfence  }
0xb6: {  	s30 =	sld [smem:$0x0];
	_ =	sdelay $0x2  }
0xb7: {  	s31 =	sshll.u32 s1, $0xD;
	s1 =	sshrl.u32 s1, $0x2  }
0xb8: {  	s3 =	sand.u32 $0x4000, s31;
	s1 =	sadd.s32 s1, s30  }
0xb9: {  	s0 =	sor.u32 s3, s0;
	s1 =	sshll.u32 s1, $0x11  }
0xba: {  	s0 =	sor.u32 s1, s0  }
0xbb: {  	s0 =	sadd.s32 $0x8F2B, s0  }
0xbc: {  	[sflag:s0] =	ssyncadd.remote.s32 $0x1  }
0xbd: {  	_ =	sfence.sel $0xFFFF  }
0xbe: {  	[dreg:$0x0] =	wrdreg $0xFFFFFFFF;
	(pc) =	sbr.abs _section_cstart, $3  }
0xbf: {  	[dreg:$0x1] =	wrdreg $0xFFFFFFFF  }
0xc0: {  	_ =	task.clear_ibuf [dreg:s6], $0x2FFFF;
	_ =	strace $0x9FFFFFFF  }
0xc1: {  	(tm) =	ssettm $0x7FFFFFFF  }
tec
execute0_lowered:
.L_overlay_start_1:
0x0: {  	(tag) =	ssettag $0x1  }
0x1: {  	s1 =	srdreg.scid  }
0x2: {  	s0 =	stileid.u32;
	s4 =	rddreg [dreg:$0x0];
	s8 =	simm.s32 $0x1  }
0x3: {  	s9 =	simm.s32 $0x80;
	s10 =	simm.s32 $0x400;
	s11 =	simm.s32 $0x0  }
0x4: {  	s3 =	sand.u32 $0x1, s1;
	s2 =	sshll.u32 s0, $0x1;
	s1 =	rddreg [dreg:$0x1]  }
0x5: {  	s6 =	sshrl.u32 s0, $0x2;
	s5 =	sor.u32 s3, s2;
	s2 =	simm.s32 $0x0  }
0x6: {  	s6 =	smul.u32 $0x13C00, s6;
	s30 =	ssub.s32 $0x2, s3;
	s7 =	sshll.u32 s5, $0x7  }
0x7: {  	s3 =	sadd.s32 $0xC200, s4;
	s5 =	smul.u32 $0x500, s5;
	s7 =	sand.u32 $0x380, s7  }
0x8: {  	[smem:$0x7FF] =	sst s2;
	s31 =	sshrl.u32 s30, $0x1;
	s6 =	sor.u32 s6, s7  }
0x9: {  	_ =	strace $0x80000047;
	s5 =	sadd.s32 s5, s4;
	s6 =	sshrl.u32 s6, $0x3  }
0xa: {  	s7 =	ssub.s32 s30, s31;
	s6 =	sadd.s32 s6, s4;
	s4 =	sadd.s32 $0x2200, s5  }
0xb: {  	v0 =	vimm.f32 $1.000000000e+00;
	s5 =	sadd.s32 $0xC800, s6;
	s6 =	smax.u32 s7, $0x1;
	s7 =	simm.s32 $0x2800  }
.LBB2_1:
0xc: {  	[tilespmem:s7], [sflag:$0x1] =	stream.linear.gather [hbm4b:s3+s2], $0x2780, $0x38;
	[tilespmem:$0x4F80] =	vst v63  }
0xd: {  	_ =	swait.ge [sflag:s8], $0x2780  }
0xe: {  	[sflag:s8] =	ssyncset.done $0x0  }
0xf: {  	[sflag:s8] =	ssyncadd.s32 $0xFFFFD880  }
0x10: {  	[tilespmem:s2], [sflag:$0x1] =	stream.linear.gather [hbm4b:s4+s2], $0x2800, $0x38;
	[tilespmem:$0x4F80] =	vst v63  }
0x11: {  	_ =	swait.ge [sflag:s8], $0x2800  }
0x12: {  	[sflag:s8] =	ssyncset.done $0x0  }
0x13: {  	s12 =	simm.s32 $0x0;
	[sflag:s8] =	ssyncadd.s32 $0xFFFFD800  }
.LBB2_2:
0x14: {  	s13 =	sshra.s32 s12, $0x2  }
0x15: {  	v1 =	vld [tilespmem:s13+$0x0];
	_ =	sdelay $0x7  }
0x16: {  	[tilespmem:v1+s7+$0x0] =	vst.idx.add.f32.msk $0xffff, v0  }
0x17: {  	v1 =	vld [tilespmem:s13+$0x10];
	_ =	sdelay $0x7  }
0x18: {  	[tilespmem:v1+s7+$0x0] =	vst.idx.add.f32.msk $0xffff, v0  }
0x19: {  	v1 =	vld [tilespmem:s13+$0x20];
	_ =	sdelay $0x7  }
0x1a: {  	[tilespmem:v1+s7+$0x0] =	vst.idx.add.f32.msk $0xffff, v0  }
0x1b: {  	v1 =	vld [tilespmem:s13+$0x30];
	_ =	sdelay $0x7  }
0x1c: {  	[tilespmem:v1+s7+$0x0] =	vst.idx.add.f32.msk $0xffff, v0  }
0x1d: {  	v1 =	vld [tilespmem:s13+$0x40];
	_ =	sdelay $0x7  }
0x1e: {  	[tilespmem:v1+s7+$0x0] =	vst.idx.add.f32.msk $0xffff, v0  }
0x1f: {  	v1 =	vld [tilespmem:s13+$0x50];
	_ =	sdelay $0x7  }
0x20: {  	[tilespmem:v1+s7+$0x0] =	vst.idx.add.f32.msk $0xffff, v0  }
0x21: {  	v1 =	vld [tilespmem:s13+$0x60];
	_ =	sdelay $0x7  }
0x22: {  	[tilespmem:v1+s7+$0x0] =	vst.idx.add.f32.msk $0xffff, v0  }
0x23: {  	v1 =	vld [tilespmem:s13+$0x70];
	_ =	sdelay $0x2  }
0x24: {  	p0 =	sne.s32 s12, $0x9E00  }
.Ltmp0:
0x25: {  	_ = 	snop;
	(pc) =	sbr.rel @p0 .LBB2_2-.Ltmp0, $2  }
0x26: {  	_ =	sdelay $0x2  }
0x27: {  	s12 =	sadd.s32 $0x200, s12;
	[tilespmem:v1+s7+$0x0] =	vst.idx.add.f32.msk $0xffff, v0  }
0x28: {  	s11 =	sadd.s32 $0x1, s11  }
0x29: {  	p0 =	sne.s32 s11, s6  }
.Ltmp1:
0x2a: {  	_ = 	snop;
	(pc) =	sbr.rel @p0 .LBB2_1-.Ltmp1, $4  }
0x2b: {  	[hbm4b:s5+s9] =	stream.strided.scatter [tilespmem:s7], [sflag:$0x1], $0x2780, s10, s9, $0x38;
	[tilespmem:$0x4F80] =	vst v63  }
0x2c: {  	_ =	swait.ge [sflag:s8], $0x2780  }
0x2d: {  	[sflag:s8] =	ssyncset.done $0x0  }
0x2e: {  	[sflag:s8] =	ssyncadd.s32 $0xFFFFD880  }
0x2f: {  	_ =	sfence.sel $0x180000  }
0x30: {  	[bflag:$0x0] =	sbarrier.arrive $0xFFFF  }
0x31: {  	p0 =	sne.s32 s0, $0x0;
	_ =	strace $0x90000047  }
0x32: {  	s0 =	sadd.s32 @!p0 $0x100000, s1;
	[bflag:$0x2] =	sbarrier.arrive $0xFFFF  }
0x33: {  	[sflag:s0] =	ssyncadd.tile.s32 @!p0 $0x1;
	_ =	shalt  }
.Lfunc_end2:
_tile_overlayer_lowered:
.L_overlay_start_2:
0x34: {  	(tag) =	ssettag $0x2  }
0x35: {  	s0 =	rddreg [dreg:$0x0];
	s2 =	stileid.u32  }
0x36: {  	s1 =	rddreg [dreg:$0x1];
	p0 =	sne.s32 s2, $0x0  }
0x37: {  	s3 =	rddreg [dreg:$0x2];
	[bflag:$0x3] =	sbarrier.arrive $0xFFFF;
	s2 =	simm.s32 @!p0 $0x1C01  }
0x38: {  	[timem:s3], [sflag:s2] =	dma.local @!p0 [hbm:s0], s1  }
0x39: {  	s0 =	simm.s32 @!p0 $0x1  }
0x3a: {  	_ =	swait.ge @!p0 [sflag:s0], s1  }
0x3b: {  	s1 =	ssub.s32 @!p0 $0x0, s1;
	[sflag:s0] =	ssyncset.done @!p0 $0x0  }
0x3c: {  	[sflag:s0] =	ssyncadd.s32 @!p0 s1  }
0x3d: {  	[bflag:$0x3] =	sbarrier.arrive $0xFFFF  }
0x3e: {  	_ =	shalt  }

</sc_bundles>
